<compile_context>
chip_gen: v7x
topology: tpu7x:2x2x1
jax: 0.10.2.dev20260603
libtpu: 0.0.44.dev20260713+nightly
codegen_flags: <defaults>
</compile_context>

<pallas_src>
import functools

import jax
import jax.numpy as jnp
from jax import lax
from jax.experimental import pallas as pl
from jax.experimental.pallas import tpu as pltpu
from jax.experimental.pallas import tpu_sc as plsc

N_TOK = 32768
DIM = 256
K = 256
BLK = 4096

NC = 2
NS = 16
NW = NC * NS
B_PER_W = N_TOK // NW
CHUNK = 128
NCHUNK = B_PER_W // CHUNK


def _tc_body(x_ref, w_ref, idx_ref):
    x = x_ref[...]
    w = w_ref[...]
    wt2 = jnp.sum(w * w, axis=0, keepdims=True)
    x2 = jnp.sum(x * x, axis=1, keepdims=True)
    cross = jax.lax.dot_general(
        x, w, (((1,), (0,)), ((), ())),
        preferred_element_type=jnp.float32,
    )
    dist = x2 + wt2 - 2.0 * cross
    m = jnp.min(dist, axis=1, keepdims=True)
    iota = jax.lax.broadcasted_iota(jnp.int32, dist.shape, 1).astype(jnp.float32)
    idx = jnp.min(jnp.where(dist == m, iota, float(K)), axis=1, keepdims=True)
    idx_ref[...] = jnp.reshape(idx.astype(jnp.int32), (BLK // 128, 128))


def _tc_indices(x_flat, W):
    grid = (N_TOK // BLK,)
    return pl.pallas_call(
        _tc_body,
        grid=grid,
        in_specs=[
            pl.BlockSpec((BLK, DIM), lambda i: (i, 0)),
            pl.BlockSpec((DIM, K), lambda i: (0, 0)),
        ],
        out_specs=pl.BlockSpec((BLK // 128, 128), lambda i: (i, 0)),
        out_shape=jax.ShapeDtypeStruct((N_TOK // 128, 128), jnp.int32),
    )(x_flat, W)


_sc_mesh = plsc.VectorSubcoreMesh(core_axis_name="c", subcore_axis_name="s")


@functools.partial(
    pl.kernel,
    out_type=jax.ShapeDtypeStruct((N_TOK, DIM), jnp.float32),
    mesh=_sc_mesh,
    scratch_types=[
        pltpu.VMEM((NCHUNK, CHUNK), jnp.int32),
        pltpu.VMEM((CHUNK, DIM), jnp.float32),
        pltpu.VMEM((CHUNK, DIM), jnp.float32),
        pltpu.SemaphoreType.DMA,
        pltpu.SemaphoreType.DMA,
    ],
)
def _sc_gather(w_hbm, idx_hbm, out_hbm, idx_v, buf0, buf1, gsem, ssem):
    wid = lax.axis_index("s") * NC + lax.axis_index("c")
    base = wid * B_PER_W
    pltpu.sync_copy(idx_hbm.at[pl.ds(wid * NCHUNK, NCHUNK)], idx_v)
    bufs = (buf0, buf1)
    gathers = [None] * NCHUNK
    stores = [None] * NCHUNK
    gathers[0] = pltpu.async_copy(w_hbm.at[idx_v.at[0]], bufs[0], gsem)
    for c in range(NCHUNK):
        gathers[c].wait()
        if c + 1 < NCHUNK:
            if c >= 1:
                stores[c - 1].wait()
            gathers[c + 1] = pltpu.async_copy(
                w_hbm.at[idx_v.at[c + 1]], bufs[(c + 1) % 2], gsem)
        stores[c] = pltpu.async_copy(
            bufs[c % 2], out_hbm.at[pl.ds(base + c * CHUNK, CHUNK)], ssem)
    stores[NCHUNK - 1].wait()


@jax.jit
def kernel(x_flat, W):
    idx = _tc_indices(x_flat, W)
    return _sc_gather(W, idx)

# --- scband reference (transcript-rebuilt; emitter-appended) ---
"""Pipeline reference for scband-quantisation-21620865368396 (READ-ONLY COPY).

The authoritative reference and input builder live on the scoring server;
editing this copy changes nothing except your own understanding.
"""

import jax, jax.numpy as jnp
import numpy as np

NUM_EMBEDDINGS = 256
EMBEDDING_DIM = 256
N_TOKENS = 32768


def setup_inputs(seed: int = 0) -> dict:
    key = jax.random.key(seed)
    k1, k2 = jax.random.split(key)
    x_flat = jax.random.normal(k1, (N_TOKENS, EMBEDDING_DIM), dtype=jnp.float32)
    # nn.Embedding weight initialized uniform(-1/num_embeddings, 1/num_embeddings)
    W = jax.random.uniform(
        k2,
        (NUM_EMBEDDINGS, EMBEDDING_DIM),
        minval=-1.0 / NUM_EMBEDDINGS,
        maxval=1.0 / NUM_EMBEDDINGS,
        dtype=jnp.float32,
    )
    return {"x_flat": x_flat, "W": W}


def reference(x_flat, W):
    # Faithful to the torch code: distances = torch.cdist(x_flat, W.t(), p=2.0) ** 2
    # i.e. squared euclidean distance between rows of x_flat [N, d] and rows of W.t() [d, K].
    # (This only type-checks because num_embeddings == embedding_dim.)
    w_t = W.T  # [embedding_dim, num_embeddings] == [256, 256]
    x2 = jnp.sum(x_flat * x_flat, axis=1, keepdims=True)          # [N, 1]
    wt2 = jnp.sum(w_t * w_t, axis=1)                               # [d]
    cross = x_flat @ w_t.T                                         # [N, d]
    distances = x2 + wt2[None, :] - 2.0 * cross                    # cdist(...)**2
    encoding_indices = jnp.argmin(distances, axis=1)               # [N] int
    quantised_flattened = jnp.take(W, encoding_indices, axis=0)    # embedding lookup
    # straight-through estimator: x + (q - x).detach()
    quantised_flattened = x_flat + jax.lax.stop_gradient(quantised_flattened - x_flat)
    return quantised_flattened

if __name__ == "__main__":
    import jax
    _d = setup_inputs()
    print(jax.jit(kernel)(*tuple(_d.values())))

</pallas_src>

<mosaic_0001>
#map = affine_map<(d0, d1) -> (0, 0)>
module attributes {stable_mosaic.version = 14 : i64} {
  func.func @_sc_gather(%arg0: i32, %arg1: i32, %arg2: memref<256x256xf32, #tpu.memory_space<hbm>>, %arg3: memref<256x128xi32, #tpu.memory_space<hbm>>, %arg4: memref<32768x256xf32, #tpu.memory_space<hbm>>, %arg5: memref<8x128xi32, #tpu.memory_space<vmem>>, %arg6: memref<128x256xf32, #tpu.memory_space<vmem>>, %arg7: memref<128x256xf32, #tpu.memory_space<vmem>>, %arg8: memref<!tpu.dma_semaphore, #tpu.memory_space<semaphore_mem>>, %arg9: memref<!tpu.dma_semaphore, #tpu.memory_space<semaphore_mem>>) attributes {dimension_semantics = [#tpu.dimension_semantics<core_parallel>, #tpu.dimension_semantics<subcore_parallel>], iteration_bounds = array<i64: 2, 16>, scalar_prefetch = 0 : i64, scratch_operands = 5 : i64, tpu.core_type = #tpu.core_type<sc_vector_subcore>, window_params = [{transform_indices = #map}, {transform_indices = #map}, {transform_indices = #map}]} {
    %mul3A = arith.constant 2 : i32
    %mul3A_0 = arith.muli %arg1, %mul3A : i32
    %add3A = arith.addi %mul3A_0, %arg0 : i32
    %mul3A_1 = arith.constant 1024 : i32
    %mul3A_2 = arith.muli %add3A, %mul3A_1 : i32
    %mul3A_3 = arith.constant 8 : i32
    %mul3A_4 = arith.muli %add3A, %mul3A_3 : i32
    "tpu.region"() ({
      %run_scoped3A = tpu.sem_alloc : memref<!tpu.dma_semaphore, #tpu.memory_space<semaphore_mem>>
      %dma_start3A_191 = arith.constant 0 : i32
      %dma_start3A_192 = tpu.memref_slice %arg3[%mul3A_4, %dma_start3A_191] : memref<256x128xi32, #tpu.memory_space<hbm>> -> memref<8x128xi32, #tpu.memory_space<hbm>>
      %dma_start3A_193 = arith.constant 0 : i32
      %dma_start3A_194 = tpu.memref_slice %arg3[%mul3A_4, %dma_start3A_193] : memref<256x128xi32, #tpu.memory_space<hbm>> -> memref<8x128xi32, #tpu.memory_space<hbm>>
      tpu.enqueue_dma source(%dma_start3A_194 : memref<8x128xi32, #tpu.memory_space<hbm>>) target(%arg5 : memref<8x128xi32, #tpu.memory_space<vmem>>) target_semaphore(%run_scoped3A : memref<!tpu.dma_semaphore, #tpu.memory_space<semaphore_mem>>)
      %dma_wait3A_195 = arith.constant 0 : i32
      %dma_wait3A_196 = tpu.memref_slice %arg3[%mul3A_4, %dma_wait3A_195] : memref<256x128xi32, #tpu.memory_space<hbm>> -> memref<8x128xi32, #tpu.memory_space<hbm>>
      %dma_wait3A_197 = arith.constant 0 : i32
      %dma_wait3A_198 = tpu.memref_slice %arg3[%mul3A_4, %dma_wait3A_197] : memref<256x128xi32, #tpu.memory_space<hbm>> -> memref<8x128xi32, #tpu.memory_space<hbm>>
      tpu.wait_dma2 semaphore(%run_scoped3A : memref<!tpu.dma_semaphore, #tpu.memory_space<semaphore_mem>>) src(%dma_wait3A_198 : memref<8x128xi32, #tpu.memory_space<hbm>>) dst(%arg5 : memref<8x128xi32, #tpu.memory_space<vmem>>)
      tpu.yield
    }) : () -> ()
    %dma_start3A = arith.constant 0 : i32
    %dma_start3A_5 = arith.constant 0 : i32
    %dma_start3A_6 = tpu.memref_slice %arg5[%dma_start3A, %dma_start3A_5] : memref<8x128xi32, #tpu.memory_space<vmem>> -> memref<1x128xi32, #tpu.memory_space<vmem>>
    %dma_start3A_7 = tpu.memref_squeeze %dma_start3A_6 : memref<1x128xi32, #tpu.memory_space<vmem>> -> memref<128xi32, #tpu.memory_space<vmem>>
    %dma_start3A_8 = arith.constant 0 : i32
    %dma_start3A_9 = arith.constant 0 : i32
    %dma_start3A_10 = tpu.memref_slice %arg2[%dma_start3A_8, %dma_start3A_9] : memref<256x256xf32, #tpu.memory_space<hbm>> -> memref<256x256xf32, #tpu.memory_space<hbm>>
    tpu.enqueue_indirect_dma source(%dma_start3A_10 : memref<256x256xf32, #tpu.memory_space<hbm>>) target(%arg6 : memref<128x256xf32, #tpu.memory_space<vmem>>) offsets(%dma_start3A_7 : memref<128xi32, #tpu.memory_space<vmem>>) semaphore(%arg8 : memref<!tpu.dma_semaphore, #tpu.memory_space<semaphore_mem>>)
    %dma_wait3A = arith.constant 0 : i32
    %dma_wait3A_11 = arith.constant 0 : i32
    %dma_wait3A_12 = tpu.memref_slice %arg5[%dma_wait3A, %dma_wait3A_11] : memref<8x128xi32, #tpu.memory_space<vmem>> -> memref<1x128xi32, #tpu.memory_space<vmem>>
    %dma_wait3A_13 = tpu.memref_squeeze %dma_wait3A_12 : memref<1x128xi32, #tpu.memory_space<vmem>> -> memref<128xi32, #tpu.memory_space<vmem>>
    %dma_wait3A_14 = arith.constant 0 : i32
    %dma_wait3A_15 = arith.constant 0 : i32
    %dma_wait3A_16 = tpu.memref_slice %arg2[%dma_wait3A_14, %dma_wait3A_15] : memref<256x256xf32, #tpu.memory_space<hbm>> -> memref<256x256xf32, #tpu.memory_space<hbm>>
    tpu.wait_indirect_dma semaphore(%arg8 : memref<!tpu.dma_semaphore, #tpu.memory_space<semaphore_mem>>) src(%dma_wait3A_16 : memref<256x256xf32, #tpu.memory_space<hbm>>) dst(%arg6 : memref<128x256xf32, #tpu.memory_space<vmem>>)
    %dma_start3A_17 = arith.constant 1 : i32
    %dma_start3A_18 = arith.constant 0 : i32
    %dma_start3A_19 = tpu.memref_slice %arg5[%dma_start3A_17, %dma_start3A_18] : memref<8x128xi32, #tpu.memory_space<vmem>> -> memref<1x128xi32, #tpu.memory_space<vmem>>
    %dma_start3A_20 = tpu.memref_squeeze %dma_start3A_19 : memref<1x128xi32, #tpu.memory_space<vmem>> -> memref<128xi32, #tpu.memory_space<vmem>>
    %dma_start3A_21 = arith.constant 0 : i32
    %dma_start3A_22 = arith.constant 0 : i32
    %dma_start3A_23 = tpu.memref_slice %arg2[%dma_start3A_21, %dma_start3A_22] : memref<256x256xf32, #tpu.memory_space<hbm>> -> memref<256x256xf32, #tpu.memory_space<hbm>>
    tpu.enqueue_indirect_dma source(%dma_start3A_23 : memref<256x256xf32, #tpu.memory_space<hbm>>) target(%arg7 : memref<128x256xf32, #tpu.memory_space<vmem>>) offsets(%dma_start3A_20 : memref<128xi32, #tpu.memory_space<vmem>>) semaphore(%arg8 : memref<!tpu.dma_semaphore, #tpu.memory_space<semaphore_mem>>)
    %add3A_24 = arith.constant 0 : i32
    %add3A_25 = arith.addi %mul3A_2, %add3A_24 : i32
    %dma_start3A_26 = arith.constant 0 : i32
    %dma_start3A_27 = tpu.memref_slice %arg4[%add3A_25, %dma_start3A_26] : memref<32768x256xf32, #tpu.memory_space<hbm>> -> memref<128x256xf32, #tpu.memory_space<hbm>>
    %dma_start3A_28 = arith.constant 0 : i32
    %dma_start3A_29 = tpu.memref_slice %arg4[%add3A_25, %dma_start3A_28] : memref<32768x256xf32, #tpu.memory_space<hbm>> -> memref<128x256xf32, #tpu.memory_space<hbm>>
    tpu.enqueue_dma source(%arg6 : memref<128x256xf32, #tpu.memory_space<vmem>>) target(%dma_start3A_29 : memref<128x256xf32, #tpu.memory_space<hbm>>) target_semaphore(%arg9 : memref<!tpu.dma_semaphore, #tpu.memory_space<semaphore_mem>>)
    %dma_wait3A_30 = arith.constant 1 : i32
    %dma_wait3A_31 = arith.constant 0 : i32
    %dma_wait3A_32 = tpu.memref_slice %arg5[%dma_wait3A_30, %dma_wait3A_31] : memref<8x128xi32, #tpu.memory_space<vmem>> -> memref<1x128xi32, #tpu.memory_space<vmem>>
    %dma_wait3A_33 = tpu.memref_squeeze %dma_wait3A_32 : memref<1x128xi32, #tpu.memory_space<vmem>> -> memref<128xi32, #tpu.memory_space<vmem>>
    %dma_wait3A_34 = arith.constant 0 : i32
    %dma_wait3A_35 = arith.constant 0 : i32
    %dma_wait3A_36 = tpu.memref_slice %arg2[%dma_wait3A_34, %dma_wait3A_35] : memref<256x256xf32, #tpu.memory_space<hbm>> -> memref<256x256xf32, #tpu.memory_space<hbm>>
    tpu.wait_indirect_dma semaphore(%arg8 : memref<!tpu.dma_semaphore, #tpu.memory_space<semaphore_mem>>) src(%dma_wait3A_36 : memref<256x256xf32, #tpu.memory_space<hbm>>) dst(%arg7 : memref<128x256xf32, #tpu.memory_space<vmem>>)
    %dma_wait3A_37 = arith.constant 0 : i32
    %dma_wait3A_38 = tpu.memref_slice %arg4[%add3A_25, %dma_wait3A_37] : memref<32768x256xf32, #tpu.memory_space<hbm>> -> memref<128x256xf32, #tpu.memory_space<hbm>>
    %dma_wait3A_39 = arith.constant 0 : i32
    %dma_wait3A_40 = tpu.memref_slice %arg4[%add3A_25, %dma_wait3A_39] : memref<32768x256xf32, #tpu.memory_space<hbm>> -> memref<128x256xf32, #tpu.memory_space<hbm>>
    tpu.wait_dma2 semaphore(%arg9 : memref<!tpu.dma_semaphore, #tpu.memory_space<semaphore_mem>>) src(%arg6 : memref<128x256xf32, #tpu.memory_space<vmem>>) dst(%dma_wait3A_40 : memref<128x256xf32, #tpu.memory_space<hbm>>)
    %dma_start3A_41 = arith.constant 2 : i32
    %dma_start3A_42 = arith.constant 0 : i32
    %dma_start3A_43 = tpu.memref_slice %arg5[%dma_start3A_41, %dma_start3A_42] : memref<8x128xi32, #tpu.memory_space<vmem>> -> memref<1x128xi32, #tpu.memory_space<vmem>>
    %dma_start3A_44 = tpu.memref_squeeze %dma_start3A_43 : memref<1x128xi32, #tpu.memory_space<vmem>> -> memref<128xi32, #tpu.memory_space<vmem>>
    %dma_start3A_45 = arith.constant 0 : i32
    %dma_start3A_46 = arith.constant 0 : i32
    %dma_start3A_47 = tpu.memref_slice %arg2[%dma_start3A_45, %dma_start3A_46] : memref<256x256xf32, #tpu.memory_space<hbm>> -> memref<256x256xf32, #tpu.memory_space<hbm>>
    tpu.enqueue_indirect_dma source(%dma_start3A_47 : memref<256x256xf32, #tpu.memory_space<hbm>>) target(%arg6 : memref<128x256xf32, #tpu.memory_space<vmem>>) offsets(%dma_start3A_44 : memref<128xi32, #tpu.memory_space<vmem>>) semaphore(%arg8 : memref<!tpu.dma_semaphore, #tpu.memory_space<semaphore_mem>>)
    %add3A_48 = arith.constant 128 : i32
    %add3A_49 = arith.addi %mul3A_2, %add3A_48 : i32
    %dma_start3A_50 = arith.constant 0 : i32
    %dma_start3A_51 = tpu.memref_slice %arg4[%add3A_49, %dma_start3A_50] : memref<32768x256xf32, #tpu.memory_space<hbm>> -> memref<128x256xf32, #tpu.memory_space<hbm>>
    %dma_start3A_52 = arith.constant 0 : i32
    %dma_start3A_53 = tpu.memref_slice %arg4[%add3A_49, %dma_start3A_52] : memref<32768x256xf32, #tpu.memory_space<hbm>> -> memref<128x256xf32, #tpu.memory_space<hbm>>
    tpu.enqueue_dma source(%arg7 : memref<128x256xf32, #tpu.memory_space<vmem>>) target(%dma_start3A_53 : memref<128x256xf32, #tpu.memory_space<hbm>>) target_semaphore(%arg9 : memref<!tpu.dma_semaphore, #tpu.memory_space<semaphore_mem>>)
    %dma_wait3A_54 = arith.constant 2 : i32
    %dma_wait3A_55 = arith.constant 0 : i32
    %dma_wait3A_56 = tpu.memref_slice %arg5[%dma_wait3A_54, %dma_wait3A_55] : memref<8x128xi32, #tpu.memory_space<vmem>> -> memref<1x128xi32, #tpu.memory_space<vmem>>
    %dma_wait3A_57 = tpu.memref_squeeze %dma_wait3A_56 : memref<1x128xi32, #tpu.memory_space<vmem>> -> memref<128xi32, #tpu.memory_space<vmem>>
    %dma_wait3A_58 = arith.constant 0 : i32
    %dma_wait3A_59 = arith.constant 0 : i32
    %dma_wait3A_60 = tpu.memref_slice %arg2[%dma_wait3A_58, %dma_wait3A_59] : memref<256x256xf32, #tpu.memory_space<hbm>> -> memref<256x256xf32, #tpu.memory_space<hbm>>
    tpu.wait_indirect_dma semaphore(%arg8 : memref<!tpu.dma_semaphore, #tpu.memory_space<semaphore_mem>>) src(%dma_wait3A_60 : memref<256x256xf32, #tpu.memory_space<hbm>>) dst(%arg6 : memref<128x256xf32, #tpu.memory_space<vmem>>)
    %dma_wait3A_61 = arith.constant 0 : i32
    %dma_wait3A_62 = tpu.memref_slice %arg4[%add3A_49, %dma_wait3A_61] : memref<32768x256xf32, #tpu.memory_space<hbm>> -> memref<128x256xf32, #tpu.memory_space<hbm>>
    %dma_wait3A_63 = arith.constant 0 : i32
    %dma_wait3A_64 = tpu.memref_slice %arg4[%add3A_49, %dma_wait3A_63] : memref<32768x256xf32, #tpu.memory_space<hbm>> -> memref<128x256xf32, #tpu.memory_space<hbm>>
    tpu.wait_dma2 semaphore(%arg9 : memref<!tpu.dma_semaphore, #tpu.memory_space<semaphore_mem>>) src(%arg7 : memref<128x256xf32, #tpu.memory_space<vmem>>) dst(%dma_wait3A_64 : memref<128x256xf32, #tpu.memory_space<hbm>>)
    %dma_start3A_65 = arith.constant 3 : i32
    %dma_start3A_66 = arith.constant 0 : i32
    %dma_start3A_67 = tpu.memref_slice %arg5[%dma_start3A_65, %dma_start3A_66] : memref<8x128xi32, #tpu.memory_space<vmem>> -> memref<1x128xi32, #tpu.memory_space<vmem>>
    %dma_start3A_68 = tpu.memref_squeeze %dma_start3A_67 : memref<1x128xi32, #tpu.memory_space<vmem>> -> memref<128xi32, #tpu.memory_space<vmem>>
    %dma_start3A_69 = arith.constant 0 : i32
    %dma_start3A_70 = arith.constant 0 : i32
    %dma_start3A_71 = tpu.memref_slice %arg2[%dma_start3A_69, %dma_start3A_70] : memref<256x256xf32, #tpu.memory_space<hbm>> -> memref<256x256xf32, #tpu.memory_space<hbm>>
    tpu.enqueue_indirect_dma source(%dma_start3A_71 : memref<256x256xf32, #tpu.memory_space<hbm>>) target(%arg7 : memref<128x256xf32, #tpu.memory_space<vmem>>) offsets(%dma_start3A_68 : memref<128xi32, #tpu.memory_space<vmem>>) semaphore(%arg8 : memref<!tpu.dma_semaphore, #tpu.memory_space<semaphore_mem>>)
    %add3A_72 = arith.constant 256 : i32
    %add3A_73 = arith.addi %mul3A_2, %add3A_72 : i32
    %dma_start3A_74 = arith.constant 0 : i32
    %dma_start3A_75 = tpu.memref_slice %arg4[%add3A_73, %dma_start3A_74] : memref<32768x256xf32, #tpu.memory_space<hbm>> -> memref<128x256xf32, #tpu.memory_space<hbm>>
    %dma_start3A_76 = arith.constant 0 : i32
    %dma_start3A_77 = tpu.memref_slice %arg4[%add3A_73, %dma_start3A_76] : memref<32768x256xf32, #tpu.memory_space<hbm>> -> memref<128x256xf32, #tpu.memory_space<hbm>>
    tpu.enqueue_dma source(%arg6 : memref<128x256xf32, #tpu.memory_space<vmem>>) target(%dma_start3A_77 : memref<128x256xf32, #tpu.memory_space<hbm>>) target_semaphore(%arg9 : memref<!tpu.dma_semaphore, #tpu.memory_space<semaphore_mem>>)
    %dma_wait3A_78 = arith.constant 3 : i32
    %dma_wait3A_79 = arith.constant 0 : i32
    %dma_wait3A_80 = tpu.memref_slice %arg5[%dma_wait3A_78, %dma_wait3A_79] : memref<8x128xi32, #tpu.memory_space<vmem>> -> memref<1x128xi32, #tpu.memory_space<vmem>>
    %dma_wait3A_81 = tpu.memref_squeeze %dma_wait3A_80 : memref<1x128xi32, #tpu.memory_space<vmem>> -> memref<128xi32, #tpu.memory_space<vmem>>
    %dma_wait3A_82 = arith.constant 0 : i32
    %dma_wait3A_83 = arith.constant 0 : i32
    %dma_wait3A_84 = tpu.memref_slice %arg2[%dma_wait3A_82, %dma_wait3A_83] : memref<256x256xf32, #tpu.memory_space<hbm>> -> memref<256x256xf32, #tpu.memory_space<hbm>>
    tpu.wait_indirect_dma semaphore(%arg8 : memref<!tpu.dma_semaphore, #tpu.memory_space<semaphore_mem>>) src(%dma_wait3A_84 : memref<256x256xf32, #tpu.memory_space<hbm>>) dst(%arg7 : memref<128x256xf32, #tpu.memory_space<vmem>>)
    %dma_wait3A_85 = arith.constant 0 : i32
    %dma_wait3A_86 = tpu.memref_slice %arg4[%add3A_73, %dma_wait3A_85] : memref<32768x256xf32, #tpu.memory_space<hbm>> -> memref<128x256xf32, #tpu.memory_space<hbm>>
    %dma_wait3A_87 = arith.constant 0 : i32
    %dma_wait3A_88 = tpu.memref_slice %arg4[%add3A_73, %dma_wait3A_87] : memref<32768x256xf32, #tpu.memory_space<hbm>> -> memref<128x256xf32, #tpu.memory_space<hbm>>
    tpu.wait_dma2 semaphore(%arg9 : memref<!tpu.dma_semaphore, #tpu.memory_space<semaphore_mem>>) src(%arg6 : memref<128x256xf32, #tpu.memory_space<vmem>>) dst(%dma_wait3A_88 : memref<128x256xf32, #tpu.memory_space<hbm>>)
    %dma_start3A_89 = arith.constant 4 : i32
    %dma_start3A_90 = arith.constant 0 : i32
    %dma_start3A_91 = tpu.memref_slice %arg5[%dma_start3A_89, %dma_start3A_90] : memref<8x128xi32, #tpu.memory_space<vmem>> -> memref<1x128xi32, #tpu.memory_space<vmem>>
    %dma_start3A_92 = tpu.memref_squeeze %dma_start3A_91 : memref<1x128xi32, #tpu.memory_space<vmem>> -> memref<128xi32, #tpu.memory_space<vmem>>
    %dma_start3A_93 = arith.constant 0 : i32
    %dma_start3A_94 = arith.constant 0 : i32
    %dma_start3A_95 = tpu.memref_slice %arg2[%dma_start3A_93, %dma_start3A_94] : memref<256x256xf32, #tpu.memory_space<hbm>> -> memref<256x256xf32, #tpu.memory_space<hbm>>
    tpu.enqueue_indirect_dma source(%dma_start3A_95 : memref<256x256xf32, #tpu.memory_space<hbm>>) target(%arg6 : memref<128x256xf32, #tpu.memory_space<vmem>>) offsets(%dma_start3A_92 : memref<128xi32, #tpu.memory_space<vmem>>) semaphore(%arg8 : memref<!tpu.dma_semaphore, #tpu.memory_space<semaphore_mem>>)
    %add3A_96 = arith.constant 384 : i32
    %add3A_97 = arith.addi %mul3A_2, %add3A_96 : i32
    %dma_start3A_98 = arith.constant 0 : i32
    %dma_start3A_99 = tpu.memref_slice %arg4[%add3A_97, %dma_start3A_98] : memref<32768x256xf32, #tpu.memory_space<hbm>> -> memref<128x256xf32, #tpu.memory_space<hbm>>
    %dma_start3A_100 = arith.constant 0 : i32
    %dma_start3A_101 = tpu.memref_slice %arg4[%add3A_97, %dma_start3A_100] : memref<32768x256xf32, #tpu.memory_space<hbm>> -> memref<128x256xf32, #tpu.memory_space<hbm>>
    tpu.enqueue_dma source(%arg7 : memref<128x256xf32, #tpu.memory_space<vmem>>) target(%dma_start3A_101 : memref<128x256xf32, #tpu.memory_space<hbm>>) target_semaphore(%arg9 : memref<!tpu.dma_semaphore, #tpu.memory_space<semaphore_mem>>)
    %dma_wait3A_102 = arith.constant 4 : i32
    %dma_wait3A_103 = arith.constant 0 : i32
    %dma_wait3A_104 = tpu.memref_slice %arg5[%dma_wait3A_102, %dma_wait3A_103] : memref<8x128xi32, #tpu.memory_space<vmem>> -> memref<1x128xi32, #tpu.memory_space<vmem>>
    %dma_wait3A_105 = tpu.memref_squeeze %dma_wait3A_104 : memref<1x128xi32, #tpu.memory_space<vmem>> -> memref<128xi32, #tpu.memory_space<vmem>>
    %dma_wait3A_106 = arith.constant 0 : i32
    %dma_wait3A_107 = arith.constant 0 : i32
    %dma_wait3A_108 = tpu.memref_slice %arg2[%dma_wait3A_106, %dma_wait3A_107] : memref<256x256xf32, #tpu.memory_space<hbm>> -> memref<256x256xf32, #tpu.memory_space<hbm>>
    tpu.wait_indirect_dma semaphore(%arg8 : memref<!tpu.dma_semaphore, #tpu.memory_space<semaphore_mem>>) src(%dma_wait3A_108 : memref<256x256xf32, #tpu.memory_space<hbm>>) dst(%arg6 : memref<128x256xf32, #tpu.memory_space<vmem>>)
    %dma_wait3A_109 = arith.constant 0 : i32
    %dma_wait3A_110 = tpu.memref_slice %arg4[%add3A_97, %dma_wait3A_109] : memref<32768x256xf32, #tpu.memory_space<hbm>> -> memref<128x256xf32, #tpu.memory_space<hbm>>
    %dma_wait3A_111 = arith.constant 0 : i32
    %dma_wait3A_112 = tpu.memref_slice %arg4[%add3A_97, %dma_wait3A_111] : memref<32768x256xf32, #tpu.memory_space<hbm>> -> memref<128x256xf32, #tpu.memory_space<hbm>>
    tpu.wait_dma2 semaphore(%arg9 : memref<!tpu.dma_semaphore, #tpu.memory_space<semaphore_mem>>) src(%arg7 : memref<128x256xf32, #tpu.memory_space<vmem>>) dst(%dma_wait3A_112 : memref<128x256xf32, #tpu.memory_space<hbm>>)
    %dma_start3A_113 = arith.constant 5 : i32
    %dma_start3A_114 = arith.constant 0 : i32
    %dma_start3A_115 = tpu.memref_slice %arg5[%dma_start3A_113, %dma_start3A_114] : memref<8x128xi32, #tpu.memory_space<vmem>> -> memref<1x128xi32, #tpu.memory_space<vmem>>
    %dma_start3A_116 = tpu.memref_squeeze %dma_start3A_115 : memref<1x128xi32, #tpu.memory_space<vmem>> -> memref<128xi32, #tpu.memory_space<vmem>>
    %dma_start3A_117 = arith.constant 0 : i32
    %dma_start3A_118 = arith.constant 0 : i32
    %dma_start3A_119 = tpu.memref_slice %arg2[%dma_start3A_117, %dma_start3A_118] : memref<256x256xf32, #tpu.memory_space<hbm>> -> memref<256x256xf32, #tpu.memory_space<hbm>>
    tpu.enqueue_indirect_dma source(%dma_start3A_119 : memref<256x256xf32, #tpu.memory_space<hbm>>) target(%arg7 : memref<128x256xf32, #tpu.memory_space<vmem>>) offsets(%dma_start3A_116 : memref<128xi32, #tpu.memory_space<vmem>>) semaphore(%arg8 : memref<!tpu.dma_semaphore, #tpu.memory_space<semaphore_mem>>)
    %add3A_120 = arith.constant 512 : i32
    %add3A_121 = arith.addi %mul3A_2, %add3A_120 : i32
    %dma_start3A_122 = arith.constant 0 : i32
    %dma_start3A_123 = tpu.memref_slice %arg4[%add3A_121, %dma_start3A_122] : memref<32768x256xf32, #tpu.memory_space<hbm>> -> memref<128x256xf32, #tpu.memory_space<hbm>>
    %dma_start3A_124 = arith.constant 0 : i32
    %dma_start3A_125 = tpu.memref_slice %arg4[%add3A_121, %dma_start3A_124] : memref<32768x256xf32, #tpu.memory_space<hbm>> -> memref<128x256xf32, #tpu.memory_space<hbm>>
    tpu.enqueue_dma source(%arg6 : memref<128x256xf32, #tpu.memory_space<vmem>>) target(%dma_start3A_125 : memref<128x256xf32, #tpu.memory_space<hbm>>) target_semaphore(%arg9 : memref<!tpu.dma_semaphore, #tpu.memory_space<semaphore_mem>>)
    %dma_wait3A_126 = arith.constant 5 : i32
    %dma_wait3A_127 = arith.constant 0 : i32
    %dma_wait3A_128 = tpu.memref_slice %arg5[%dma_wait3A_126, %dma_wait3A_127] : memref<8x128xi32, #tpu.memory_space<vmem>> -> memref<1x128xi32, #tpu.memory_space<vmem>>
    %dma_wait3A_129 = tpu.memref_squeeze %dma_wait3A_128 : memref<1x128xi32, #tpu.memory_space<vmem>> -> memref<128xi32, #tpu.memory_space<vmem>>
    %dma_wait3A_130 = arith.constant 0 : i32
    %dma_wait3A_131 = arith.constant 0 : i32
    %dma_wait3A_132 = tpu.memref_slice %arg2[%dma_wait3A_130, %dma_wait3A_131] : memref<256x256xf32, #tpu.memory_space<hbm>> -> memref<256x256xf32, #tpu.memory_space<hbm>>
    tpu.wait_indirect_dma semaphore(%arg8 : memref<!tpu.dma_semaphore, #tpu.memory_space<semaphore_mem>>) src(%dma_wait3A_132 : memref<256x256xf32, #tpu.memory_space<hbm>>) dst(%arg7 : memref<128x256xf32, #tpu.memory_space<vmem>>)
    %dma_wait3A_133 = arith.constant 0 : i32
    %dma_wait3A_134 = tpu.memref_slice %arg4[%add3A_121, %dma_wait3A_133] : memref<32768x256xf32, #tpu.memory_space<hbm>> -> memref<128x256xf32, #tpu.memory_space<hbm>>
    %dma_wait3A_135 = arith.constant 0 : i32
    %dma_wait3A_136 = tpu.memref_slice %arg4[%add3A_121, %dma_wait3A_135] : memref<32768x256xf32, #tpu.memory_space<hbm>> -> memref<128x256xf32, #tpu.memory_space<hbm>>
    tpu.wait_dma2 semaphore(%arg9 : memref<!tpu.dma_semaphore, #tpu.memory_space<semaphore_mem>>) src(%arg6 : memref<128x256xf32, #tpu.memory_space<vmem>>) dst(%dma_wait3A_136 : memref<128x256xf32, #tpu.memory_space<hbm>>)
    %dma_start3A_137 = arith.constant 6 : i32
    %dma_start3A_138 = arith.constant 0 : i32
    %dma_start3A_139 = tpu.memref_slice %arg5[%dma_start3A_137, %dma_start3A_138] : memref<8x128xi32, #tpu.memory_space<vmem>> -> memref<1x128xi32, #tpu.memory_space<vmem>>
    %dma_start3A_140 = tpu.memref_squeeze %dma_start3A_139 : memref<1x128xi32, #tpu.memory_space<vmem>> -> memref<128xi32, #tpu.memory_space<vmem>>
    %dma_start3A_141 = arith.constant 0 : i32
    %dma_start3A_142 = arith.constant 0 : i32
    %dma_start3A_143 = tpu.memref_slice %arg2[%dma_start3A_141, %dma_start3A_142] : memref<256x256xf32, #tpu.memory_space<hbm>> -> memref<256x256xf32, #tpu.memory_space<hbm>>
    tpu.enqueue_indirect_dma source(%dma_start3A_143 : memref<256x256xf32, #tpu.memory_space<hbm>>) target(%arg6 : memref<128x256xf32, #tpu.memory_space<vmem>>) offsets(%dma_start3A_140 : memref<128xi32, #tpu.memory_space<vmem>>) semaphore(%arg8 : memref<!tpu.dma_semaphore, #tpu.memory_space<semaphore_mem>>)
    %add3A_144 = arith.constant 640 : i32
    %add3A_145 = arith.addi %mul3A_2, %add3A_144 : i32
    %dma_start3A_146 = arith.constant 0 : i32
    %dma_start3A_147 = tpu.memref_slice %arg4[%add3A_145, %dma_start3A_146] : memref<32768x256xf32, #tpu.memory_space<hbm>> -> memref<128x256xf32, #tpu.memory_space<hbm>>
    %dma_start3A_148 = arith.constant 0 : i32
    %dma_start3A_149 = tpu.memref_slice %arg4[%add3A_145, %dma_start3A_148] : memref<32768x256xf32, #tpu.memory_space<hbm>> -> memref<128x256xf32, #tpu.memory_space<hbm>>
    tpu.enqueue_dma source(%arg7 : memref<128x256xf32, #tpu.memory_space<vmem>>) target(%dma_start3A_149 : memref<128x256xf32, #tpu.memory_space<hbm>>) target_semaphore(%arg9 : memref<!tpu.dma_semaphore, #tpu.memory_space<semaphore_mem>>)
    %dma_wait3A_150 = arith.constant 6 : i32
    %dma_wait3A_151 = arith.constant 0 : i32
    %dma_wait3A_152 = tpu.memref_slice %arg5[%dma_wait3A_150, %dma_wait3A_151] : memref<8x128xi32, #tpu.memory_space<vmem>> -> memref<1x128xi32, #tpu.memory_space<vmem>>
    %dma_wait3A_153 = tpu.memref_squeeze %dma_wait3A_152 : memref<1x128xi32, #tpu.memory_space<vmem>> -> memref<128xi32, #tpu.memory_space<vmem>>
    %dma_wait3A_154 = arith.constant 0 : i32
    %dma_wait3A_155 = arith.constant 0 : i32
    %dma_wait3A_156 = tpu.memref_slice %arg2[%dma_wait3A_154, %dma_wait3A_155] : memref<256x256xf32, #tpu.memory_space<hbm>> -> memref<256x256xf32, #tpu.memory_space<hbm>>
    tpu.wait_indirect_dma semaphore(%arg8 : memref<!tpu.dma_semaphore, #tpu.memory_space<semaphore_mem>>) src(%dma_wait3A_156 : memref<256x256xf32, #tpu.memory_space<hbm>>) dst(%arg6 : memref<128x256xf32, #tpu.memory_space<vmem>>)
    %dma_wait3A_157 = arith.constant 0 : i32
    %dma_wait3A_158 = tpu.memref_slice %arg4[%add3A_145, %dma_wait3A_157] : memref<32768x256xf32, #tpu.memory_space<hbm>> -> memref<128x256xf32, #tpu.memory_space<hbm>>
    %dma_wait3A_159 = arith.constant 0 : i32
    %dma_wait3A_160 = tpu.memref_slice %arg4[%add3A_145, %dma_wait3A_159] : memref<32768x256xf32, #tpu.memory_space<hbm>> -> memref<128x256xf32, #tpu.memory_space<hbm>>
    tpu.wait_dma2 semaphore(%arg9 : memref<!tpu.dma_semaphore, #tpu.memory_space<semaphore_mem>>) src(%arg7 : memref<128x256xf32, #tpu.memory_space<vmem>>) dst(%dma_wait3A_160 : memref<128x256xf32, #tpu.memory_space<hbm>>)
    %dma_start3A_161 = arith.constant 7 : i32
    %dma_start3A_162 = arith.constant 0 : i32
    %dma_start3A_163 = tpu.memref_slice %arg5[%dma_start3A_161, %dma_start3A_162] : memref<8x128xi32, #tpu.memory_space<vmem>> -> memref<1x128xi32, #tpu.memory_space<vmem>>
    %dma_start3A_164 = tpu.memref_squeeze %dma_start3A_163 : memref<1x128xi32, #tpu.memory_space<vmem>> -> memref<128xi32, #tpu.memory_space<vmem>>
    %dma_start3A_165 = arith.constant 0 : i32
    %dma_start3A_166 = arith.constant 0 : i32
    %dma_start3A_167 = tpu.memref_slice %arg2[%dma_start3A_165, %dma_start3A_166] : memref<256x256xf32, #tpu.memory_space<hbm>> -> memref<256x256xf32, #tpu.memory_space<hbm>>
    tpu.enqueue_indirect_dma source(%dma_start3A_167 : memref<256x256xf32, #tpu.memory_space<hbm>>) target(%arg7 : memref<128x256xf32, #tpu.memory_space<vmem>>) offsets(%dma_start3A_164 : memref<128xi32, #tpu.memory_space<vmem>>) semaphore(%arg8 : memref<!tpu.dma_semaphore, #tpu.memory_space<semaphore_mem>>)
    %add3A_168 = arith.constant 768 : i32
    %add3A_169 = arith.addi %mul3A_2, %add3A_168 : i32
    %dma_start3A_170 = arith.constant 0 : i32
    %dma_start3A_171 = tpu.memref_slice %arg4[%add3A_169, %dma_start3A_170] : memref<32768x256xf32, #tpu.memory_space<hbm>> -> memref<128x256xf32, #tpu.memory_space<hbm>>
    %dma_start3A_172 = arith.constant 0 : i32
    %dma_start3A_173 = tpu.memref_slice %arg4[%add3A_169, %dma_start3A_172] : memref<32768x256xf32, #tpu.memory_space<hbm>> -> memref<128x256xf32, #tpu.memory_space<hbm>>
    tpu.enqueue_dma source(%arg6 : memref<128x256xf32, #tpu.memory_space<vmem>>) target(%dma_start3A_173 : memref<128x256xf32, #tpu.memory_space<hbm>>) target_semaphore(%arg9 : memref<!tpu.dma_semaphore, #tpu.memory_space<semaphore_mem>>)
    %dma_wait3A_174 = arith.constant 7 : i32
    %dma_wait3A_175 = arith.constant 0 : i32
    %dma_wait3A_176 = tpu.memref_slice %arg5[%dma_wait3A_174, %dma_wait3A_175] : memref<8x128xi32, #tpu.memory_space<vmem>> -> memref<1x128xi32, #tpu.memory_space<vmem>>
    %dma_wait3A_177 = tpu.memref_squeeze %dma_wait3A_176 : memref<1x128xi32, #tpu.memory_space<vmem>> -> memref<128xi32, #tpu.memory_space<vmem>>
    %dma_wait3A_178 = arith.constant 0 : i32
    %dma_wait3A_179 = arith.constant 0 : i32
    %dma_wait3A_180 = tpu.memref_slice %arg2[%dma_wait3A_178, %dma_wait3A_179] : memref<256x256xf32, #tpu.memory_space<hbm>> -> memref<256x256xf32, #tpu.memory_space<hbm>>
    tpu.wait_indirect_dma semaphore(%arg8 : memref<!tpu.dma_semaphore, #tpu.memory_space<semaphore_mem>>) src(%dma_wait3A_180 : memref<256x256xf32, #tpu.memory_space<hbm>>) dst(%arg7 : memref<128x256xf32, #tpu.memory_space<vmem>>)
    %add3A_181 = arith.constant 896 : i32
    %add3A_182 = arith.addi %mul3A_2, %add3A_181 : i32
    %dma_start3A_183 = arith.constant 0 : i32
    %dma_start3A_184 = tpu.memref_slice %arg4[%add3A_182, %dma_start3A_183] : memref<32768x256xf32, #tpu.memory_space<hbm>> -> memref<128x256xf32, #tpu.memory_space<hbm>>
    %dma_start3A_185 = arith.constant 0 : i32
    %dma_start3A_186 = tpu.memref_slice %arg4[%add3A_182, %dma_start3A_185] : memref<32768x256xf32, #tpu.memory_space<hbm>> -> memref<128x256xf32, #tpu.memory_space<hbm>>
    tpu.enqueue_dma source(%arg7 : memref<128x256xf32, #tpu.memory_space<vmem>>) target(%dma_start3A_186 : memref<128x256xf32, #tpu.memory_space<hbm>>) target_semaphore(%arg9 : memref<!tpu.dma_semaphore, #tpu.memory_space<semaphore_mem>>)
    %dma_wait3A_187 = arith.constant 0 : i32
    %dma_wait3A_188 = tpu.memref_slice %arg4[%add3A_182, %dma_wait3A_187] : memref<32768x256xf32, #tpu.memory_space<hbm>> -> memref<128x256xf32, #tpu.memory_space<hbm>>
    %dma_wait3A_189 = arith.constant 0 : i32
    %dma_wait3A_190 = tpu.memref_slice %arg4[%add3A_182, %dma_wait3A_189] : memref<32768x256xf32, #tpu.memory_space<hbm>> -> memref<128x256xf32, #tpu.memory_space<hbm>>
    tpu.wait_dma2 semaphore(%arg9 : memref<!tpu.dma_semaphore, #tpu.memory_space<semaphore_mem>>) src(%arg7 : memref<128x256xf32, #tpu.memory_space<vmem>>) dst(%dma_wait3A_190 : memref<128x256xf32, #tpu.memory_space<hbm>>)
    return
  }
}

module attributes {stable_mosaic.version = 14 : i64} {
  func.func @_tc_body(%arg0: i32, %arg1: memref<4096x256xf32, #tpu.memory_space<vmem>>, %arg2: memref<256x256xf32, #tpu.memory_space<vmem>>, %arg3: memref<32x128xi32, #tpu.memory_space<vmem>>) attributes {dimension_semantics = [#tpu.dimension_semantics<arbitrary>], iteration_bounds = array<i64: 8>, scalar_prefetch = 0 : i64, scratch_operands = 0 : i64, tpu.core_type = #tpu.core_type<tc>, window_params = [{transform_indices = @transform_0, window_bounds = array<i64: 4096, 256>}, {pipeline_mode = #tpu.pipeline_mode<synchronous>, transform_indices = @transform_1, window_bounds = array<i64: 256, 256>}, {transform_indices = @transform_2, window_bounds = array<i64: 32, 128>}]} {
    %get3A = arith.constant 0 : index
    %get3A_0 = arith.constant 0 : index
    %get3A_1 = vector.load %arg1[%get3A, %get3A_0] : memref<4096x256xf32, #tpu.memory_space<vmem>>, vector<4096x256xf32>
    %get3A_2 = arith.constant 0 : index
    %get3A_3 = arith.constant 0 : index
    %get3A_4 = vector.load %arg2[%get3A_2, %get3A_3] : memref<256x256xf32, #tpu.memory_space<vmem>>, vector<256x256xf32>
    %mul3A = arith.mulf %get3A_4, %get3A_4 : vector<256x256xf32>
    %reduce_sum3A = arith.constant dense<0.000000e+00> : vector<256xf32>
    %reduce_sum3A_5 = vector.multi_reduction <add>, %mul3A, %reduce_sum3A [0] : vector<256x256xf32> to vector<256xf32>
    %broadcast_in_dim3A = vector.shape_cast %reduce_sum3A_5 : vector<256xf32> to vector<1x256xf32>
    %mul3A_6 = arith.mulf %get3A_1, %get3A_1 : vector<4096x256xf32>
    %reduce_sum3A_7 = arith.constant dense<0.000000e+00> : vector<4096xf32>
    %reduce_sum3A_8 = vector.multi_reduction <add>, %mul3A_6, %reduce_sum3A_7 [1] : vector<4096x256xf32> to vector<4096xf32>
    %broadcast_in_dim3A_9 = vector.shape_cast %reduce_sum3A_8 : vector<4096xf32> to vector<4096x1xf32>
    %dot_general3A = arith.constant dense<0.000000e+00> : vector<4096x256xf32>
    %dot_general3A_10 = tpu.matmul %get3A_1, %get3A_4, %dot_general3A {dimension_numbers = #tpu.dot_dimension_numbers<[1], [0], [0], [1], [0, 0, 1, 1], [], []>, transpose_lhs_hint = false} : vector<4096x256xf32>, vector<256x256xf32>, vector<4096x256xf32> -> vector<4096x256xf32>
    %add3A = vector.broadcast %broadcast_in_dim3A_9 : vector<4096x1xf32> to vector<4096x256xf32>
    %add3A_11 = vector.broadcast %broadcast_in_dim3A : vector<1x256xf32> to vector<4096x256xf32>
    %add3A_12 = arith.addf %add3A, %add3A_11 : vector<4096x256xf32>
    %mul3A_13 = arith.constant 2.000000e+00 : f32
    %mul3A_14 = vector.broadcast %mul3A_13 : f32 to vector<4096x256xf32>
    %mul3A_15 = arith.mulf %mul3A_14, %dot_general3A_10 : vector<4096x256xf32>
    %sub3A = arith.subf %add3A_12, %mul3A_15 : vector<4096x256xf32>
    %reduce_min3A = arith.constant dense<0x7F800000> : vector<4096xf32>
    %reduce_min3A_16 = vector.multi_reduction <minimumf>, %sub3A, %reduce_min3A [1] : vector<4096x256xf32> to vector<4096xf32>
    %broadcast_in_dim3A_17 = vector.shape_cast %reduce_min3A_16 : vector<4096xf32> to vector<4096x1xf32>
    %iota3A = tpu.iota {dimensions = array<i32: 1>} : vector<4096x256xi32>
    %convert_element_type3A = arith.sitofp %iota3A : vector<4096x256xi32> to vector<4096x256xf32>
    %eq3A = vector.broadcast %broadcast_in_dim3A_17 : vector<4096x1xf32> to vector<4096x256xf32>
    %eq3A_18 = arith.cmpf oeq, %sub3A, %eq3A : vector<4096x256xf32>
    %jit3A = arith.constant 2.560000e+02 : f32
    %broadcast_in_dim3A_19 = vector.broadcast %jit3A : f32 to vector<4096x256xf32>
    %select_n3A = arith.select %eq3A_18, %convert_element_type3A, %broadcast_in_dim3A_19 : vector<4096x256xi1>, vector<4096x256xf32>
    %reduce_min3A_20 = arith.constant dense<0x7F800000> : vector<4096xf32>
    %reduce_min3A_21 = vector.multi_reduction <minimumf>, %select_n3A, %reduce_min3A_20 [1] : vector<4096x256xf32> to vector<4096xf32>
    %broadcast_in_dim3A_22 = vector.shape_cast %reduce_min3A_21 : vector<4096xf32> to vector<4096x1xf32>
    %convert_element_type3A_23 = arith.fptosi %broadcast_in_dim3A_22 : vector<4096x1xf32> to vector<4096x1xi32>
    %reshape3A = vector.shape_cast %convert_element_type3A_23 : vector<4096x1xi32> to vector<32x128xi32>
    %swap3A = arith.constant 0 : index
    %swap3A_24 = arith.constant 0 : index
    %swap3A_25 = vector.load %arg3[%swap3A, %swap3A_24] : memref<32x128xi32, #tpu.memory_space<vmem>>, vector<32x128xi32>
    tpu.vector_store %arg3[%swap3A, %swap3A_24], %reshape3A {strides = array<i32>} : memref<32x128xi32, #tpu.memory_space<vmem>>, vector<32x128xi32>,
    return
  }
  func.func @transform_0(%arg0: i32) -> (i32, i32) {
    %c0_i32 = arith.constant 0 : i32
    %c0_i32_0 = arith.constant 0 : i32
    return %arg0, %c0_i32 : i32, i32
  }
  func.func @transform_1(%arg0: i32) -> (i32, i32) {
    %c0_i32 = arith.constant 0 : i32
    %c0_i32_0 = arith.constant 0 : i32
    %c0_i32_1 = arith.constant 0 : i32
    return %c0_i32, %c0_i32_0 : i32, i32
  }
  func.func @transform_2(%arg0: i32) -> (i32, i32) {
    %c0_i32 = arith.constant 0 : i32
    %c0_i32_0 = arith.constant 0 : i32
    return %arg0, %c0_i32 : i32, i32
  }
}

</mosaic_0001>

<sc_bundles>
// kernel: kernel.4.cloned.1.call-start
scs
__scs_entry_jumppad:
0x0: {  	(pc) =	sbr.rel $0x88, $3  }
0x1: {  	(tag) =	ssettag $0x0;
	lr =	simm.s32 $0x1  }
0x2: {  	[smem:$0x3F9F] =	sst lr;
	_ =	strace $0xD0000000  }
0x3: {  	_ = 	snop  }
0x4: {  	_ = 	snop  }
0x5: {  	_ = 	snop  }
0x6: {  	_ = 	snop  }
0x7: {  	_ = 	snop  }
__scs_overlays_trampoline_lowered:
0x8: {  	[smem:$0x3FAE] =	sst s0  }
0x9: {  	[smem:$0x3FAF] =	sst s1  }
0xa: {  	[smem:$0x3FB0] =	sst s2  }
0xb: {  	[smem:$0x3FB1] =	sst s3  }
0xc: {  	[smem:$0x3FB2] =	sst s4  }
0xd: {  	[smem:$0x3FB3] =	sst s5  }
0xe: {  	[smem:$0x3FB4] =	sst s6  }
0xf: {  	[smem:$0x3FB5] =	sst s7  }
0x10: {  	[smem:$0x3FB6] =	sst s8  }
0x11: {  	[smem:$0x3FB7] =	sst s9;
	s0 =	simm.s32 @!p0 $0x0  }
0x12: {  	s1 =	sld [smem:$0x3F9D];
	s0 =	simm.s32 @p0 $0x1  }
0x13: {  	[smem:$0x3FB8] =	sst s0;
	s0 =	simm.s32 @!p1 $0x0  }
0x14: {  	s2 =	sld [smem:$0x3F9C];
	s0 =	simm.s32 @p1 $0x1  }
0x15: {  	[smem:$0x3FB9] =	sst s0;
	s0 =	simm.s32 @!p2 $0x0  }
0x16: {  	s3 =	sld [smem:$0x3FDB];
	s0 =	simm.s32 @p2 $0x1  }
0x17: {  	s4 =	simm.s32 $0x1BF5;
	[smem:$0x3FBB] =	sst s0  }
0x18: {  	s0 =	sld [smem:$0x3F9E];
	_ =	swait.ge [sflag:s4], $0x0  }
0x19: {  	s7 =	sld [smem:$0x3F9F]  }
0x1a: {  	s8 =	sadd.s32 $0xFFFFE003, lr  }
0x1b: {  	s9 =	sadd.s32 $0xFFFFFEF7, lr;
	s5 =	simm.s32 $0xFFFFFFFF;
	p2 =	slt.u32 s8, $0xFFFFF086  }
0x1c: {  	p1 =	slt.u32 s9, $0xF7A;
	s5 =	simm.s32 @!p2 $0x0  }
0x1d: {  	s5 =	simm.s32 @p1 $0x1;
	p0 =	seq.s32 s7, s2  }
0x1e: {  	s7 =	smul.u32 @!p0 $0xF7A, s2;
	p2 =	seq.s32 @!p0 s5, $0x0  }
0x1f: {  	s9 =	smul.u32 $0xF7A, s1;
	s8 =	simm.s32 @!p0 $0x1BF5;
	p2 =	por !p2, p0  }
0x20: {  	[sflag:s8] =	ssyncset.s32 @!p0 $0xFFFFF086;
	s6 =	sadd.s32 @!p0 s3, s7;
	s7 =	simm.s32 @!p0 $0x108  }
0x21: {  	s3 =	sadd.s32 s3, s9;
	s6 =	sadd.s32 @!p0 $0x88, s6;
	s7 =	simm.s32 @p2 $0x1082  }
0x22: {  	[simem:s7], [sflag:s8] =	dma.local @!p0 [hbm:s6], $0xF7A  }
0x23: {  	s9 =	sor.u32 $0xD0000000, s2;
	s6 =	simm.s32 $0x108;
	_ =	swait.ge @!p0 [sflag:s8], $0x0  }
0x24: {  	s3 =	sadd.s32 $0x88, s3;
	s6 =	simm.s32 @!p1 $0x1082;
	[sflag:s4] =	ssyncset.s32 $0xFFFFF086  }
0x25: {  	[simem:s6], [sflag:s4] =	dma.local [hbm:s3], $0xF7A  }
0x26: {  	[smem:$0x3F9F] =	sst s1;
	(tag) =	ssettag s2;
	_ =	strace s9  }
0x27: {  	s1 =	sld [smem:$0x3FAF]  }
0x28: {  	s2 =	sld [smem:$0x3FB0]  }
0x29: {  	s4 =	sld [smem:$0x3FB2]  }
0x2a: {  	p0 =	seq.s32 s5, $0x0;
	s5 =	sld [smem:$0x3FB3]  }
0x2b: {  	s6 =	sld [smem:$0x3FB4]  }
0x2c: {  	s7 =	sld [smem:$0x3FB5]  }
0x2d: {  	s3 =	simm.s32 $0x108;
	s8 =	sld [smem:$0x3FB6]  }
0x2e: {  	s3 =	simm.s32 @!p0 $0x1082;
	s9 =	sld [smem:$0x3FB7]  }
0x2f: {  	lr =	sadd.s32 s0, s3;
	s0 =	sld [smem:$0x3FAE]  }
0x30: {  	s3 =	sld [smem:$0x3FB1]  }
0x31: {  	[smem:$0x3FBA] =	sst s10  }
0x32: {  	s10 =	sld [smem:$0x3FB8];
	_ =	sdelay $0x3  }
0x33: {  	p0 =	seq.s32 s10, $0x1;
	s10 =	sld [smem:$0x3FBA];
	_ =	sdelay $0x3  }
0x34: {  	[smem:$0x3FBA] =	sst s10  }
0x35: {  	s10 =	sld [smem:$0x3FB9];
	_ =	sdelay $0x3  }
0x36: {  	p1 =	seq.s32 s10, $0x1;
	s10 =	sld [smem:$0x3FBA];
	_ =	sdelay $0x3  }
0x37: {  	[smem:$0x3FBA] =	sst s10  }
0x38: {  	s10 =	sld [smem:$0x3FBB]  }
0x39: {  	_ = 	snop;
	(pc) =	sbr.ind lr, $3  }
0x3a: {  	_ = 	snop  }
0x3b: {  	_ = 	snop  }
0x3c: {  	p2 =	seq.s32 s10, $0x1;
	s10 =	sld [smem:$0x3FBA]  }
0x3d: {  	_ =	shalt  }
0x3e: {  	_ =	shalt  }
0x3f: {  	_ =	shalt  }
0x40: {  	_ =	shalt  }
0x41: {  	_ =	shalt  }
0x42: {  	_ =	shalt  }
0x43: {  	_ =	shalt  }
0x44: {  	_ =	shalt  }
0x45: {  	_ =	shalt  }
0x46: {  	_ =	shalt  }
0x47: {  	_ =	shalt  }
0x48: {  	_ =	shalt  }
0x49: {  	_ =	shalt  }
0x4a: {  	_ =	shalt  }
0x4b: {  	_ =	shalt  }
0x4c: {  	_ =	shalt  }
0x4d: {  	_ =	shalt  }
0x4e: {  	_ =	shalt  }
0x4f: {  	_ =	shalt  }
0x50: {  	_ =	shalt  }
0x51: {  	_ =	shalt  }
0x52: {  	_ =	shalt  }
0x53: {  	_ =	shalt  }
0x54: {  	_ =	shalt  }
0x55: {  	_ =	shalt  }
0x56: {  	_ =	shalt  }
0x57: {  	_ =	shalt  }
0x58: {  	_ =	shalt  }
0x59: {  	_ =	shalt  }
0x5a: {  	_ =	shalt  }
0x5b: {  	_ =	shalt  }
0x5c: {  	_ =	shalt  }
0x5d: {  	_ =	shalt  }
0x5e: {  	_ =	shalt  }
0x5f: {  	_ =	shalt  }
0x60: {  	_ =	shalt  }
0x61: {  	_ =	shalt  }
0x62: {  	_ =	shalt  }
0x63: {  	_ =	shalt  }
0x64: {  	_ =	shalt  }
0x65: {  	_ =	shalt  }
0x66: {  	_ =	shalt  }
0x67: {  	_ =	shalt  }
0x68: {  	_ =	shalt  }
0x69: {  	_ =	shalt  }
0x6a: {  	_ =	shalt  }
0x6b: {  	_ =	shalt  }
0x6c: {  	_ =	shalt  }
0x6d: {  	_ =	shalt  }
0x6e: {  	_ =	shalt  }
0x6f: {  	_ =	shalt  }
0x70: {  	_ =	shalt  }
0x71: {  	_ =	shalt  }
0x72: {  	_ =	shalt  }
0x73: {  	_ =	shalt  }
0x74: {  	_ =	shalt  }
0x75: {  	_ =	shalt  }
0x76: {  	_ =	shalt  }
0x77: {  	_ =	shalt  }
0x78: {  	_ =	shalt  }
0x79: {  	_ =	shalt  }
0x7a: {  	_ =	shalt  }
0x7b: {  	_ =	shalt  }
0x7c: {  	_ =	shalt  }
0x7d: {  	_ =	shalt  }
0x7e: {  	_ =	shalt  }
0x7f: {  	_ =	shalt  }
0x80: {  	_ =	shalt  }
0x81: {  	_ =	shalt  }
0x82: {  	_ =	shalt  }
0x83: {  	_ =	shalt  }
0x84: {  	_ =	shalt  }
0x85: {  	_ =	shalt  }
0x86: {  	_ =	shalt  }
0x87: {  	_ =	shalt  }
.Lfunc_end0:
.L_simem_size_0:
called_computation_lowered:
.L_overlay_start_0:
0x88: {  	s2 =	sld [smem:$0x3FD9]  }
0x89: {  	s3 =	sld [smem:$0x3FFE];
	_ =	sdelay $0x1  }
0x8a: {  	s1 =	srdreg.scid  }
0x8b: {  	s0 =	sand.u32 $0x1, s1  }
0x8c: {  	s17 =	sshll.u32 s0, $0xA;
	s2 =	sadd.s32 s3, s2  }
0x8d: {  	s2 =	sadd.s32 s2, s17  }
0x8e: {  	[smem:$0x3FC6] =	sst s2  }
0x8f: {  	_ = 	snop  }
0x90: {  	s2 =	sld [smem:$0x3FC8]  }
0x91: {  	s18 =	sld [smem:$0x3FD0];
	(tm) =	ssettm $0x1  }
0x92: {  	s4 =	sld [smem:$0x3FFB];
	_ =	sdelay $0x3  }
0x93: {  	_ =	strace s4  }
0x94: {  	s4 =	sld [smem:$0x3FFC];
	_ =	sdelay $0x3  }
0x95: {  	_ =	strace s4  }
0x96: {  	s4 =	sld [smem:$0x3FFD];
	_ =	sdelay $0x3  }
0x97: {  	_ =	strace s4  }
0x98: {  	_ =	strace $0x8FFFFFFF  }
0x99: {  	s19 =	sld [smem:$0x3FDB];
	_ =	sdelay $0x1  }
0x9a: {  	s5 =	simm.s32 $_scs_section_size  }
0x9b: {  	s6 =	simm.s32 $_size__tile_overlayer_lowered;
	s7 =	simm.s32 $_tile_overlayer_lowered  }
0x9c: {  	s22 =	simm.s32 $0x1BFF;
	s21 =	sshll.u32 s7, $0x1;
	s4 =	sadd.s32 s5, s19  }
0x9d: {  	s8 =	simm.s32 $0x0;
	s20 =	sshll.u32 s6, $0x1;
	s6 =	sadd.s32 s21, s4  }
0x9e: {  	[timem:s8], [sflag:s22] =	dma.local [hbm:s6], s20  }
0x9f: {  	_ =	swait.ge [sflag:s22], s20  }
0xa0: {  	s5 =	ssub.s32 $0x0, s20;
	[sflag:s22] =	ssyncset.done $0x0  }
0xa1: {  	[sflag:s22] =	ssyncadd.s32 s5;
	_ =	sdelay $0x1  }
0xa2: {  	s23 =	simm.s32 $0x1B8B  }
0xa3: {  	_ =	swait.ge [sflag:s23], $0x1  }
0xa4: {  	[sflag:s23] =	ssyncset.done $0x0  }
0xa5: {  	s25 =	simm.s32 $0x1B8E;
	s24 =	sld [smem:$0x3FFE];
	[sflag:s23] =	ssyncadd.s32 $0xFFFFFFFF  }
0xa6: {  	s26 =	simm.s32 $execute0_lowered;
	[smem:$0x3FD2] =	sst s25  }
0xa7: {  	s6 =	sshll.u32 s26, $0x1;
	_ =	strace $0x80000046;
	[dreg:$0x1] =	wrdreg $0xFFFFFFFF  }
0xa8: {  	s28 =	simm.s32 $_size_execute0_lowered;
	s4 =	sadd.s32 s4, s6;
	[dreg:$0x0] =	wrdreg $0x0  }
0xa9: {  	s6 =	sshll.u32 s28, $0x1;
	[dreg:$0x2] =	wrdreg s4  }
0xaa: {  	[dreg:$0x3] =	wrdreg s6  }
0xab: {  	[dreg:$0x4] =	wrdreg $0xC0  }
0xac: {  	_ =	task [dreg:s8], $0x5FFFF  }
0xad: {  	[dreg:$0x1] =	wrdreg $0xFFFFFFFF  }
0xae: {  	[dreg:$0x0] =	wrdreg $0x60  }
0xaf: {  	[dreg:$0x2] =	wrdreg s2  }
0xb0: {  	[dreg:$0x3] =	wrdreg s24  }
0xb1: {  	[dreg:$0x4] =	wrdreg s18  }
0xb2: {  	[dreg:$0x5] =	wrdreg $0x9  }
0xb3: {  	_ =	task.clear_ibuf [dreg:s8], $0x6FFFF;
	_ =	strace $0x90000046  }
0xb4: {  	s29 =	simm.s32 $0x9;
	_ =	strace $0x80000048  }
0xb5: {  	_ =	swait.ge [sflag:s29], $0x1  }
0xb6: {  	[sflag:s29] =	ssyncadd.s32 $0xFFFFFFFF  }
0xb7: {  	_ =	strace $0x90000048  }
0xb8: {  	_ =	sfence  }
0xb9: {  	s30 =	sld [smem:$0x0];
	_ =	sdelay $0x2  }
0xba: {  	s31 =	sshll.u32 s1, $0xD;
	s1 =	sshrl.u32 s1, $0x2  }
0xbb: {  	s3 =	sand.u32 $0x4000, s31;
	s1 =	sadd.s32 s1, s30  }
0xbc: {  	s0 =	sor.u32 s3, s0;
	s1 =	sshll.u32 s1, $0x11  }
0xbd: {  	s0 =	sor.u32 s1, s0  }
0xbe: {  	s0 =	sadd.s32 $0x8F2B, s0  }
0xbf: {  	[sflag:s0] =	ssyncadd.remote.s32 $0x1  }
0xc0: {  	_ =	sfence.sel $0xFFFF  }
0xc1: {  	[dreg:$0x0] =	wrdreg $0xFFFFFFFF;
	(pc) =	sbr.abs _section_cstart, $3  }
0xc2: {  	[dreg:$0x1] =	wrdreg $0xFFFFFFFF  }
0xc3: {  	_ =	task.clear_ibuf [dreg:s8], $0x2FFFF;
	_ =	strace $0x9FFFFFFF  }
0xc4: {  	(tm) =	ssettm $0x7FFFFFFF  }
0xc5: {  	_ =	shalt  }
tec
execute0_lowered:
.L_overlay_start_1:
0x0: {  	(tag) =	ssettag $0x1  }
0x1: {  	s1 =	rddreg [dreg:$0x0]  }
0x2: {  	s0 =	srdreg.scid;
	s3 =	stileid.u32  }
0x3: {  	s2 =	rddreg [dreg:$0x1];
	s0 =	sand.u32 $0x1, s0;
	s3 =	sshll.u32 s3, $0x1  }
0x4: {  	s4 =	rddreg [dreg:$0x2];
	s5 =	sor.u32 s0, s3  }
0x5: {  	s3 =	simm.s32 $0x0;
	s6 =	sshll.u32 s5, $0x7;
	s5 =	sshll.u32 s5, $0xF  }
0x6: {  	[smem:$0x7FF] =	sst s3;
	s2 =	sadd.s32 s6, s2;
	s5 =	sadd.s32 s4, s5  }
0x7: {  	_ =	strace $0x80000047;
	s2 =	sadd.s32 $0x800, s2;
	[dreg:$0xc] =	wrdreg s5  }
0x8: {  	s23 =	sadd.s32 $0x1000, s5;
	[dreg:$0x4] =	wrdreg s2  }
0x9: {  	s15 =	simm.s32 $0x400;
	s24 =	sadd.s32 $0x2000, s5;
	[dreg:$0x5] =	wrdreg s23  }
0xa: {  	s13 =	simm.s32 $0x2;
	s25 =	sadd.s32 $0x3000, s5;
	[dreg:$0x6] =	wrdreg s24  }
0xb: {  	s0 =	ssub.s32 $0x2, s0;
	s26 =	sadd.s32 $0x4000, s5;
	[dreg:$0x7] =	wrdreg s25  }
0xc: {  	s30 =	sshrl.u32 s0, $0x1;
	s28 =	sadd.s32 $0x5000, s5;
	[dreg:$0x8] =	wrdreg s26  }
0xd: {  	v2 =	vlaneseq.u32;
	s0 =	ssub.s32 s0, s30;
	s29 =	sadd.s32 $0x6000, s5;
	[dreg:$0x9] =	wrdreg s28  }
0xe: {  	vm0 =	vmmov $0xffff;
	v1 =	vshrl.u32 v2, $0x3;
	s31 =	sadd.s32 $0x7000, s5;
	s5 =	smax.u32 s0, $0x1;
	[dreg:$0xa] =	wrdreg s29  }
0xf: {  	v0 =	vand.u32 $0x7, v2;
	v2 =	vor.u32 $0x8, v2;
	v1 =	vmul.u32 $0x8, v1;
	[dreg:$0xb] =	wrdreg s31;
	s23 =	simm.s32 $0x1;
	s24 =	simm.s32 $0x8400  }
.LBB2_1:
0x10: {  	s14 =	rddreg [dreg:$0x4];
	s28 =	simm.s32 $0x3  }
0x11: {  	[tilespmem:s3], [sflag:$0x3] =	stream.linear.gather [hbm4b:s14+s3], $0x400, $0x38;
	[tilespmem:$0x10400] =	vst v63  }
0x12: {  	_ =	swait.ge [sflag:s28], $0x400  }
0x13: {  	[sflag:s28] =	ssyncset.done $0x0  }
0x14: {  	[sflag:s28] =	ssyncadd.s32 $0xFFFFFC00  }
0x15: {  	v3 =	vld [tilespmem:$0x0];
	_ =	sdelay $0x4  }
0x16: {  	v4 =	vshll.u32 v3, $0x1  }
0x17: {  	v3 =	vand.u32 $0x7, v3;
	v4 =	vand.u32 $0xFFFFFFF0, v4  }
0x18: {  	v3 =	vor.u32 v3, v4  }
0x19: {  	v4 =	vperm.xlane v3, v0;
	_ =	sdelay $0x1  }
0x1a: {  	v3 =	vperm.xlane v3, v2;
	v4 =	vadd.s32 v1, v4;
	_ =	sdelay $0x1  }
0x1b: {  	v3 =	vadd.s32 v1, v3;
	_ =	sdelay $0x2  }
0x1c: {  	[tilespmem:s15], [sflag:$0x1] =	stream.indirect_vreg.gather [hbm4b:s1+s3], $0x80, v4, vm0, $0xb8;
	[tilespmem:$0x10400] =	vst v63  }
0x1d: {  	s0 =	simm.s32 $0xC00  }
0x1e: {  	[tilespmem:s0], [sflag:$0x1] =	stream.indirect_vreg.gather [hbm4b:s1+s3], $0x80, v3, vm0, $0xb8;
	[tilespmem:$0x10400] =	vst v63  }
0x1f: {  	v3 =	vld [tilespmem:$0x10];
	_ =	sdelay $0x4  }
0x20: {  	v57 =	vshll.u32 v3, $0x1  }
0x21: {  	v3 =	vand.u32 $0x7, v3;
	v4 =	vand.u32 $0xFFFFFFF0, v57  }
0x22: {  	v3 =	vor.u32 v3, v4  }
0x23: {  	v4 =	vperm.xlane v3, v0;
	_ =	sdelay $0x1  }
0x24: {  	v3 =	vperm.xlane v3, v2;
	v4 =	vadd.s32 v1, v4;
	_ =	sdelay $0x1  }
0x25: {  	v3 =	vadd.s32 v1, v3;
	_ =	sdelay $0x1  }
0x26: {  	s29 =	simm.s32 $0x1400  }
0x27: {  	[tilespmem:s29], [sflag:$0x1] =	stream.indirect_vreg.gather [hbm4b:s1+s3], $0x80, v4, vm0, $0xb8;
	[tilespmem:$0x10400] =	vst v63  }
0x28: {  	s30 =	simm.s32 $0x1C00  }
0x29: {  	[tilespmem:s30], [sflag:$0x1] =	stream.indirect_vreg.gather [hbm4b:s1+s3], $0x80, v3, vm0, $0xb8;
	[tilespmem:$0x10400] =	vst v63  }
0x2a: {  	v3 =	vld [tilespmem:$0x20];
	_ =	sdelay $0x4  }
0x2b: {  	v58 =	vshll.u32 v3, $0x1  }
0x2c: {  	v3 =	vand.u32 $0x7, v3;
	v4 =	vand.u32 $0xFFFFFFF0, v58  }
0x2d: {  	v3 =	vor.u32 v3, v4  }
0x2e: {  	v4 =	vperm.xlane v3, v0;
	_ =	sdelay $0x1  }
0x2f: {  	v3 =	vperm.xlane v3, v2;
	v4 =	vadd.s32 v1, v4;
	_ =	sdelay $0x1  }
0x30: {  	v3 =	vadd.s32 v1, v3;
	_ =	sdelay $0x1  }
0x31: {  	s31 =	simm.s32 $0x2400  }
0x32: {  	[tilespmem:s31], [sflag:$0x1] =	stream.indirect_vreg.gather [hbm4b:s1+s3], $0x80, v4, vm0, $0xb8;
	[tilespmem:$0x10400] =	vst v63  }
0x33: {  	s2 =	simm.s32 $0x2C00  }
0x34: {  	[tilespmem:s2], [sflag:$0x1] =	stream.indirect_vreg.gather [hbm4b:s1+s3], $0x80, v3, vm0, $0xb8;
	[tilespmem:$0x10400] =	vst v63  }
0x35: {  	v3 =	vld [tilespmem:$0x30];
	_ =	sdelay $0x4  }
0x36: {  	v59 =	vshll.u32 v3, $0x1  }
0x37: {  	v3 =	vand.u32 $0x7, v3;
	v4 =	vand.u32 $0xFFFFFFF0, v59  }
0x38: {  	v3 =	vor.u32 v3, v4  }
0x39: {  	v4 =	vperm.xlane v3, v0;
	_ =	sdelay $0x1  }
0x3a: {  	v3 =	vperm.xlane v3, v2;
	v4 =	vadd.s32 v1, v4;
	_ =	sdelay $0x1  }
0x3b: {  	v3 =	vadd.s32 v1, v3;
	_ =	sdelay $0x1  }
0x3c: {  	s4 =	simm.s32 $0x3400  }
0x3d: {  	[tilespmem:s4], [sflag:$0x1] =	stream.indirect_vreg.gather [hbm4b:s1+s3], $0x80, v4, vm0, $0xb8;
	[tilespmem:$0x10400] =	vst v63  }
0x3e: {  	s6 =	simm.s32 $0x3C00  }
0x3f: {  	[tilespmem:s6], [sflag:$0x1] =	stream.indirect_vreg.gather [hbm4b:s1+s3], $0x80, v3, vm0, $0xb8;
	[tilespmem:$0x10400] =	vst v63  }
0x40: {  	v3 =	vld [tilespmem:$0x40];
	_ =	sdelay $0x4  }
0x41: {  	v60 =	vshll.u32 v3, $0x1  }
0x42: {  	v3 =	vand.u32 $0x7, v3;
	v4 =	vand.u32 $0xFFFFFFF0, v60  }
0x43: {  	v3 =	vor.u32 v3, v4  }
0x44: {  	v4 =	vperm.xlane v3, v0;
	_ =	sdelay $0x1  }
0x45: {  	v3 =	vperm.xlane v3, v2;
	v4 =	vadd.s32 v1, v4;
	_ =	sdelay $0x1  }
0x46: {  	v3 =	vadd.s32 v1, v3;
	_ =	sdelay $0x1  }
0x47: {  	s7 =	simm.s32 $0x4400  }
0x48: {  	[tilespmem:s7], [sflag:$0x1] =	stream.indirect_vreg.gather [hbm4b:s1+s3], $0x80, v4, vm0, $0xb8;
	[tilespmem:$0x10400] =	vst v63  }
0x49: {  	s8 =	simm.s32 $0x4C00  }
0x4a: {  	[tilespmem:s8], [sflag:$0x1] =	stream.indirect_vreg.gather [hbm4b:s1+s3], $0x80, v3, vm0, $0xb8;
	[tilespmem:$0x10400] =	vst v63  }
0x4b: {  	v3 =	vld [tilespmem:$0x50];
	_ =	sdelay $0x4  }
0x4c: {  	v61 =	vshll.u32 v3, $0x1  }
0x4d: {  	v3 =	vand.u32 $0x7, v3;
	v4 =	vand.u32 $0xFFFFFFF0, v61  }
0x4e: {  	v3 =	vor.u32 v3, v4  }
0x4f: {  	v4 =	vperm.xlane v3, v0;
	_ =	sdelay $0x1  }
0x50: {  	v3 =	vperm.xlane v3, v2;
	v4 =	vadd.s32 v1, v4;
	_ =	sdelay $0x1  }
0x51: {  	v3 =	vadd.s32 v1, v3;
	_ =	sdelay $0x1  }
0x52: {  	s9 =	simm.s32 $0x5400  }
0x53: {  	[tilespmem:s9], [sflag:$0x1] =	stream.indirect_vreg.gather [hbm4b:s1+s3], $0x80, v4, vm0, $0xb8;
	[tilespmem:$0x10400] =	vst v63  }
0x54: {  	s10 =	simm.s32 $0x5C00  }
0x55: {  	[tilespmem:s10], [sflag:$0x1] =	stream.indirect_vreg.gather [hbm4b:s1+s3], $0x80, v3, vm0, $0xb8;
	[tilespmem:$0x10400] =	vst v63  }
0x56: {  	v3 =	vld [tilespmem:$0x60];
	_ =	sdelay $0x4  }
0x57: {  	v62 =	vshll.u32 v3, $0x1  }
0x58: {  	v3 =	vand.u32 $0x7, v3;
	v4 =	vand.u32 $0xFFFFFFF0, v62  }
0x59: {  	v3 =	vor.u32 v3, v4  }
0x5a: {  	v4 =	vperm.xlane v3, v0;
	_ =	sdelay $0x1  }
0x5b: {  	v3 =	vperm.xlane v3, v2;
	v4 =	vadd.s32 v1, v4;
	_ =	sdelay $0x1  }
0x5c: {  	v3 =	vadd.s32 v1, v3;
	_ =	sdelay $0x1  }
0x5d: {  	s14 =	simm.s32 $0x6400  }
0x5e: {  	[tilespmem:s14], [sflag:$0x1] =	stream.indirect_vreg.gather [hbm4b:s1+s3], $0x80, v4, vm0, $0xb8;
	[tilespmem:$0x10400] =	vst v63  }
0x5f: {  	s17 =	simm.s32 $0x6C00  }
0x60: {  	[tilespmem:s17], [sflag:$0x1] =	stream.indirect_vreg.gather [hbm4b:s1+s3], $0x80, v3, vm0, $0xb8;
	[tilespmem:$0x10400] =	vst v63  }
0x61: {  	v3 =	vld [tilespmem:$0x70];
	_ =	sdelay $0x4  }
0x62: {  	v63 =	vshll.u32 v3, $0x1  }
0x63: {  	v3 =	vand.u32 $0x7, v3;
	v4 =	vand.u32 $0xFFFFFFF0, v63  }
0x64: {  	v3 =	vor.u32 v3, v4  }
0x65: {  	v4 =	vperm.xlane v3, v0;
	_ =	sdelay $0x1  }
0x66: {  	v3 =	vperm.xlane v3, v2;
	v4 =	vadd.s32 v1, v4;
	_ =	sdelay $0x1  }
0x67: {  	v3 =	vadd.s32 v1, v3;
	_ =	sdelay $0x1  }
0x68: {  	s28 =	simm.s32 $0x7400  }
0x69: {  	[tilespmem:s28], [sflag:$0x1] =	stream.indirect_vreg.gather [hbm4b:s1+s3], $0x80, v4, vm0, $0xb8;
	[tilespmem:$0x10400] =	vst v63  }
0x6a: {  	s29 =	simm.s32 $0x7C00  }
0x6b: {  	[tilespmem:s29], [sflag:$0x1] =	stream.indirect_vreg.gather [hbm4b:s1+s3], $0x80, v3, vm0, $0xb8;
	[tilespmem:$0x10400] =	vst v63  }
0x6c: {  	_ =	swait.ge [sflag:s23], $0x8000  }
0x6d: {  	[sflag:s23] =	ssyncset.done $0x0  }
0x6e: {  	[sflag:s23] =	ssyncadd.s32 $0xFFFF8000  }
0x6f: {  	v3 =	vld [tilespmem:$0x80];
	_ =	sdelay $0x4  }
0x70: {  	v8 =	vshll.u32 v3, $0x1  }
0x71: {  	v3 =	vand.u32 $0x7, v3;
	v4 =	vand.u32 $0xFFFFFFF0, v8  }
0x72: {  	v3 =	vor.u32 v3, v4  }
0x73: {  	v4 =	vperm.xlane v3, v0;
	_ =	sdelay $0x1  }
0x74: {  	v3 =	vperm.xlane v3, v2;
	v4 =	vadd.s32 v1, v4;
	_ =	sdelay $0x1  }
0x75: {  	v3 =	vadd.s32 v1, v3;
	_ =	sdelay $0x2  }
0x76: {  	[tilespmem:s24], [sflag:$0x1] =	stream.indirect_vreg.gather [hbm4b:s1+s3], $0x80, v4, vm0, $0xb8;
	[tilespmem:$0x10400] =	vst v63  }
0x77: {  	s31 =	simm.s32 $0x8C00  }
0x78: {  	[tilespmem:s31], [sflag:$0x1] =	stream.indirect_vreg.gather [hbm4b:s1+s3], $0x80, v3, vm0, $0xb8;
	[tilespmem:$0x10400] =	vst v63  }
0x79: {  	v3 =	vld [tilespmem:$0x90];
	_ =	sdelay $0x4  }
0x7a: {  	v9 =	vshll.u32 v3, $0x1  }
0x7b: {  	v3 =	vand.u32 $0x7, v3;
	v4 =	vand.u32 $0xFFFFFFF0, v9  }
0x7c: {  	v3 =	vor.u32 v3, v4  }
0x7d: {  	v4 =	vperm.xlane v3, v0;
	_ =	sdelay $0x1  }
0x7e: {  	v3 =	vperm.xlane v3, v2;
	v4 =	vadd.s32 v1, v4;
	_ =	sdelay $0x1  }
0x7f: {  	v3 =	vadd.s32 v1, v3;
	_ =	sdelay $0x1  }
0x80: {  	s2 =	simm.s32 $0x9400  }
0x81: {  	[tilespmem:s2], [sflag:$0x1] =	stream.indirect_vreg.gather [hbm4b:s1+s3], $0x80, v4, vm0, $0xb8;
	[tilespmem:$0x10400] =	vst v63  }
0x82: {  	s6 =	simm.s32 $0x9C00  }
0x83: {  	[tilespmem:s6], [sflag:$0x1] =	stream.indirect_vreg.gather [hbm4b:s1+s3], $0x80, v3, vm0, $0xb8;
	[tilespmem:$0x10400] =	vst v63  }
0x84: {  	v3 =	vld [tilespmem:$0xA0];
	_ =	sdelay $0x4  }
0x85: {  	v10 =	vshll.u32 v3, $0x1  }
0x86: {  	v3 =	vand.u32 $0x7, v3;
	v4 =	vand.u32 $0xFFFFFFF0, v10  }
0x87: {  	v3 =	vor.u32 v3, v4  }
0x88: {  	v4 =	vperm.xlane v3, v0;
	_ =	sdelay $0x1  }
0x89: {  	v3 =	vperm.xlane v3, v2;
	v4 =	vadd.s32 v1, v4;
	_ =	sdelay $0x1  }
0x8a: {  	v3 =	vadd.s32 v1, v3;
	_ =	sdelay $0x1  }
0x8b: {  	s7 =	simm.s32 $0xA400  }
0x8c: {  	[tilespmem:s7], [sflag:$0x1] =	stream.indirect_vreg.gather [hbm4b:s1+s3], $0x80, v4, vm0, $0xb8;
	[tilespmem:$0x10400] =	vst v63  }
0x8d: {  	s10 =	simm.s32 $0xAC00  }
0x8e: {  	[tilespmem:s10], [sflag:$0x1] =	stream.indirect_vreg.gather [hbm4b:s1+s3], $0x80, v3, vm0, $0xb8;
	[tilespmem:$0x10400] =	vst v63  }
0x8f: {  	v3 =	vld [tilespmem:$0xB0];
	_ =	sdelay $0x4  }
0x90: {  	v11 =	vshll.u32 v3, $0x1  }
0x91: {  	v3 =	vand.u32 $0x7, v3;
	v4 =	vand.u32 $0xFFFFFFF0, v11  }
0x92: {  	v3 =	vor.u32 v3, v4  }
0x93: {  	v4 =	vperm.xlane v3, v0;
	_ =	sdelay $0x1  }
0x94: {  	v3 =	vperm.xlane v3, v2;
	v4 =	vadd.s32 v1, v4;
	_ =	sdelay $0x1  }
0x95: {  	v3 =	vadd.s32 v1, v3;
	_ =	sdelay $0x1  }
0x96: {  	s14 =	simm.s32 $0xB400  }
0x97: {  	[tilespmem:s14], [sflag:$0x1] =	stream.indirect_vreg.gather [hbm4b:s1+s3], $0x80, v4, vm0, $0xb8;
	[tilespmem:$0x10400] =	vst v63  }
0x98: {  	s17 =	simm.s32 $0xBC00  }
0x99: {  	[tilespmem:s17], [sflag:$0x1] =	stream.indirect_vreg.gather [hbm4b:s1+s3], $0x80, v3, vm0, $0xb8;
	[tilespmem:$0x10400] =	vst v63  }
0x9a: {  	v3 =	vld [tilespmem:$0xC0];
	_ =	sdelay $0x4  }
0x9b: {  	v12 =	vshll.u32 v3, $0x1  }
0x9c: {  	v3 =	vand.u32 $0x7, v3;
	v4 =	vand.u32 $0xFFFFFFF0, v12  }
0x9d: {  	v3 =	vor.u32 v3, v4  }
0x9e: {  	v4 =	vperm.xlane v3, v0;
	_ =	sdelay $0x1  }
0x9f: {  	v3 =	vperm.xlane v3, v2;
	v4 =	vadd.s32 v1, v4;
	_ =	sdelay $0x1  }
0xa0: {  	v3 =	vadd.s32 v1, v3;
	_ =	sdelay $0x1  }
0xa1: {  	s28 =	simm.s32 $0xC400  }
0xa2: {  	[tilespmem:s28], [sflag:$0x1] =	stream.indirect_vreg.gather [hbm4b:s1+s3], $0x80, v4, vm0, $0xb8;
	[tilespmem:$0x10400] =	vst v63  }
0xa3: {  	s29 =	simm.s32 $0xCC00  }
0xa4: {  	[tilespmem:s29], [sflag:$0x1] =	stream.indirect_vreg.gather [hbm4b:s1+s3], $0x80, v3, vm0, $0xb8;
	[tilespmem:$0x10400] =	vst v63  }
0xa5: {  	v3 =	vld [tilespmem:$0xD0];
	_ =	sdelay $0x4  }
0xa6: {  	v13 =	vshll.u32 v3, $0x1  }
0xa7: {  	v3 =	vand.u32 $0x7, v3;
	v4 =	vand.u32 $0xFFFFFFF0, v13  }
0xa8: {  	v3 =	vor.u32 v3, v4  }
0xa9: {  	v4 =	vperm.xlane v3, v0;
	_ =	sdelay $0x1  }
0xaa: {  	v3 =	vperm.xlane v3, v2;
	v4 =	vadd.s32 v1, v4;
	_ =	sdelay $0x1  }
0xab: {  	v3 =	vadd.s32 v1, v3;
	_ =	sdelay $0x1  }
0xac: {  	s31 =	simm.s32 $0xD400  }
0xad: {  	[tilespmem:s31], [sflag:$0x1] =	stream.indirect_vreg.gather [hbm4b:s1+s3], $0x80, v4, vm0, $0xb8;
	[tilespmem:$0x10400] =	vst v63  }
0xae: {  	s10 =	simm.s32 $0xDC00  }
0xaf: {  	[tilespmem:s10], [sflag:$0x1] =	stream.indirect_vreg.gather [hbm4b:s1+s3], $0x80, v3, vm0, $0xb8;
	[tilespmem:$0x10400] =	vst v63  }
0xb0: {  	v3 =	vld [tilespmem:$0xE0];
	_ =	sdelay $0x4  }
0xb1: {  	v14 =	vshll.u32 v3, $0x1  }
0xb2: {  	v3 =	vand.u32 $0x7, v3;
	v4 =	vand.u32 $0xFFFFFFF0, v14  }
0xb3: {  	v3 =	vor.u32 v3, v4  }
0xb4: {  	v4 =	vperm.xlane v3, v0;
	_ =	sdelay $0x1  }
0xb5: {  	v3 =	vperm.xlane v3, v2;
	v4 =	vadd.s32 v1, v4;
	_ =	sdelay $0x1  }
0xb6: {  	v3 =	vadd.s32 v1, v3;
	_ =	sdelay $0x1  }
0xb7: {  	s14 =	simm.s32 $0xE400  }
0xb8: {  	[tilespmem:s14], [sflag:$0x1] =	stream.indirect_vreg.gather [hbm4b:s1+s3], $0x80, v4, vm0, $0xb8;
	[tilespmem:$0x10400] =	vst v63  }
0xb9: {  	s17 =	simm.s32 $0xEC00  }
0xba: {  	[tilespmem:s17], [sflag:$0x1] =	stream.indirect_vreg.gather [hbm4b:s1+s3], $0x80, v3, vm0, $0xb8;
	[tilespmem:$0x10400] =	vst v63  }
0xbb: {  	v3 =	vld [tilespmem:$0xF0];
	_ =	sdelay $0x4  }
0xbc: {  	v15 =	vshll.u32 v3, $0x1  }
0xbd: {  	v3 =	vand.u32 $0x7, v3;
	v4 =	vand.u32 $0xFFFFFFF0, v15  }
0xbe: {  	v3 =	vor.u32 v3, v4  }
0xbf: {  	v4 =	vperm.xlane v3, v0;
	_ =	sdelay $0x1  }
0xc0: {  	v3 =	vperm.xlane v3, v2;
	v4 =	vadd.s32 v1, v4;
	_ =	sdelay $0x1  }
0xc1: {  	v3 =	vadd.s32 v1, v3;
	_ =	sdelay $0x1  }
0xc2: {  	s28 =	simm.s32 $0xF400  }
0xc3: {  	[tilespmem:s28], [sflag:$0x1] =	stream.indirect_vreg.gather [hbm4b:s1+s3], $0x80, v4, vm0, $0xb8;
	[tilespmem:$0x10400] =	vst v63  }
0xc4: {  	s29 =	simm.s32 $0xFC00  }
0xc5: {  	[tilespmem:s29], [sflag:$0x1] =	stream.indirect_vreg.gather [hbm4b:s1+s3], $0x80, v3, vm0, $0xb8;
	[tilespmem:$0x10400] =	vst v63  }
0xc6: {  	s31 =	rddreg [dreg:$0xc]  }
0xc7: {  	[hbm4b:s31+s3] =	stream.linear.scatter [tilespmem:s15], [sflag:$0x2], $0x8000, $0x38;
	[tilespmem:$0x10400] =	vst v63  }
0xc8: {  	_ =	swait.ge [sflag:s23], $0x8000  }
0xc9: {  	[sflag:s23] =	ssyncset.done $0x0  }
0xca: {  	[sflag:s23] =	ssyncadd.s32 $0xFFFF8000  }
0xcb: {  	_ =	swait.ge [sflag:s13], $0x8000  }
0xcc: {  	[sflag:s13] =	ssyncset.done $0x0  }
0xcd: {  	[sflag:s13] =	ssyncadd.s32 $0xFFFF8000  }
0xce: {  	v3 =	vld [tilespmem:$0x100];
	_ =	sdelay $0x4  }
0xcf: {  	v16 =	vshll.u32 v3, $0x1  }
0xd0: {  	v3 =	vand.u32 $0x7, v3;
	v4 =	vand.u32 $0xFFFFFFF0, v16  }
0xd1: {  	v3 =	vor.u32 v3, v4  }
0xd2: {  	v4 =	vperm.xlane v3, v0;
	_ =	sdelay $0x1  }
0xd3: {  	v3 =	vperm.xlane v3, v2;
	v4 =	vadd.s32 v1, v4;
	_ =	sdelay $0x1  }
0xd4: {  	v3 =	vadd.s32 v1, v3;
	_ =	sdelay $0x2  }
0xd5: {  	[tilespmem:s15], [sflag:$0x1] =	stream.indirect_vreg.gather [hbm4b:s1+s3], $0x80, v4, vm0, $0xb8;
	[tilespmem:$0x10400] =	vst v63  }
0xd6: {  	s11 =	simm.s32 $0xC00  }
0xd7: {  	[tilespmem:s11], [sflag:$0x1] =	stream.indirect_vreg.gather [hbm4b:s1+s3], $0x80, v3, vm0, $0xb8;
	[tilespmem:$0x10400] =	vst v63  }
0xd8: {  	v3 =	vld [tilespmem:$0x110];
	_ =	sdelay $0x4  }
0xd9: {  	v17 =	vshll.u32 v3, $0x1  }
0xda: {  	v3 =	vand.u32 $0x7, v3;
	v4 =	vand.u32 $0xFFFFFFF0, v17  }
0xdb: {  	v3 =	vor.u32 v3, v4  }
0xdc: {  	v4 =	vperm.xlane v3, v0;
	_ =	sdelay $0x1  }
0xdd: {  	v3 =	vperm.xlane v3, v2;
	v4 =	vadd.s32 v1, v4;
	_ =	sdelay $0x1  }
0xde: {  	v3 =	vadd.s32 v1, v3;
	_ =	sdelay $0x1  }
0xdf: {  	s16 =	simm.s32 $0x1400  }
0xe0: {  	[tilespmem:s16], [sflag:$0x1] =	stream.indirect_vreg.gather [hbm4b:s1+s3], $0x80, v4, vm0, $0xb8;
	[tilespmem:$0x10400] =	vst v63  }
0xe1: {  	s12 =	simm.s32 $0x1C00  }
0xe2: {  	[tilespmem:s12], [sflag:$0x1] =	stream.indirect_vreg.gather [hbm4b:s1+s3], $0x80, v3, vm0, $0xb8;
	[tilespmem:$0x10400] =	vst v63  }
0xe3: {  	v3 =	vld [tilespmem:$0x120];
	_ =	sdelay $0x4  }
0xe4: {  	v18 =	vshll.u32 v3, $0x1  }
0xe5: {  	v3 =	vand.u32 $0x7, v3;
	v4 =	vand.u32 $0xFFFFFFF0, v18  }
0xe6: {  	v3 =	vor.u32 v3, v4  }
0xe7: {  	v4 =	vperm.xlane v3, v0;
	_ =	sdelay $0x1  }
0xe8: {  	v3 =	vperm.xlane v3, v2;
	v4 =	vadd.s32 v1, v4;
	_ =	sdelay $0x1  }
0xe9: {  	v3 =	vadd.s32 v1, v3;
	_ =	sdelay $0x1  }
0xea: {  	s18 =	simm.s32 $0x2400  }
0xeb: {  	[tilespmem:s18], [sflag:$0x1] =	stream.indirect_vreg.gather [hbm4b:s1+s3], $0x80, v4, vm0, $0xb8;
	[tilespmem:$0x10400] =	vst v63  }
0xec: {  	s19 =	simm.s32 $0x2C00  }
0xed: {  	[tilespmem:s19], [sflag:$0x1] =	stream.indirect_vreg.gather [hbm4b:s1+s3], $0x80, v3, vm0, $0xb8;
	[tilespmem:$0x10400] =	vst v63  }
0xee: {  	v3 =	vld [tilespmem:$0x130];
	_ =	sdelay $0x4  }
0xef: {  	v19 =	vshll.u32 v3, $0x1  }
0xf0: {  	v3 =	vand.u32 $0x7, v3;
	v4 =	vand.u32 $0xFFFFFFF0, v19  }
0xf1: {  	v3 =	vor.u32 v3, v4  }
0xf2: {  	v4 =	vperm.xlane v3, v0;
	_ =	sdelay $0x1  }
0xf3: {  	v3 =	vperm.xlane v3, v2;
	v4 =	vadd.s32 v1, v4;
	_ =	sdelay $0x1  }
0xf4: {  	v3 =	vadd.s32 v1, v3;
	_ =	sdelay $0x1  }
0xf5: {  	s20 =	simm.s32 $0x3400  }
0xf6: {  	[tilespmem:s20], [sflag:$0x1] =	stream.indirect_vreg.gather [hbm4b:s1+s3], $0x80, v4, vm0, $0xb8;
	[tilespmem:$0x10400] =	vst v63  }
0xf7: {  	s21 =	simm.s32 $0x3C00  }
0xf8: {  	[tilespmem:s21], [sflag:$0x1] =	stream.indirect_vreg.gather [hbm4b:s1+s3], $0x80, v3, vm0, $0xb8;
	[tilespmem:$0x10400] =	vst v63  }
0xf9: {  	v3 =	vld [tilespmem:$0x140];
	_ =	sdelay $0x4  }
0xfa: {  	v20 =	vshll.u32 v3, $0x1  }
0xfb: {  	v3 =	vand.u32 $0x7, v3;
	v4 =	vand.u32 $0xFFFFFFF0, v20  }
0xfc: {  	v3 =	vor.u32 v3, v4  }
0xfd: {  	v4 =	vperm.xlane v3, v0;
	_ =	sdelay $0x1  }
0xfe: {  	v3 =	vperm.xlane v3, v2;
	v4 =	vadd.s32 v1, v4;
	_ =	sdelay $0x1  }
0xff: {  	v3 =	vadd.s32 v1, v3;
	_ =	sdelay $0x1  }
0x100: {  	s22 =	simm.s32 $0x4400  }
0x101: {  	[tilespmem:s22], [sflag:$0x1] =	stream.indirect_vreg.gather [hbm4b:s1+s3], $0x80, v4, vm0, $0xb8;
	[tilespmem:$0x10400] =	vst v63  }
0x102: {  	s25 =	simm.s32 $0x4C00  }
0x103: {  	[tilespmem:s25], [sflag:$0x1] =	stream.indirect_vreg.gather [hbm4b:s1+s3], $0x80, v3, vm0, $0xb8;
	[tilespmem:$0x10400] =	vst v63  }
0x104: {  	v3 =	vld [tilespmem:$0x150];
	_ =	sdelay $0x4  }
0x105: {  	v21 =	vshll.u32 v3, $0x1  }
0x106: {  	v3 =	vand.u32 $0x7, v3;
	v4 =	vand.u32 $0xFFFFFFF0, v21  }
0x107: {  	v3 =	vor.u32 v3, v4  }
0x108: {  	v4 =	vperm.xlane v3, v0;
	_ =	sdelay $0x1  }
0x109: {  	v3 =	vperm.xlane v3, v2;
	v4 =	vadd.s32 v1, v4;
	_ =	sdelay $0x1  }
0x10a: {  	v3 =	vadd.s32 v1, v3;
	_ =	sdelay $0x1  }
0x10b: {  	s26 =	simm.s32 $0x5400  }
0x10c: {  	[tilespmem:s26], [sflag:$0x1] =	stream.indirect_vreg.gather [hbm4b:s1+s3], $0x80, v4, vm0, $0xb8;
	[tilespmem:$0x10400] =	vst v63  }
0x10d: {  	s18 =	simm.s32 $0x5C00  }
0x10e: {  	[tilespmem:s18], [sflag:$0x1] =	stream.indirect_vreg.gather [hbm4b:s1+s3], $0x80, v3, vm0, $0xb8;
	[tilespmem:$0x10400] =	vst v63  }
0x10f: {  	v3 =	vld [tilespmem:$0x160];
	_ =	sdelay $0x4  }
0x110: {  	v22 =	vshll.u32 v3, $0x1  }
0x111: {  	v3 =	vand.u32 $0x7, v3;
	v4 =	vand.u32 $0xFFFFFFF0, v22  }
0x112: {  	v3 =	vor.u32 v3, v4  }
0x113: {  	v4 =	vperm.xlane v3, v0;
	_ =	sdelay $0x1  }
0x114: {  	v3 =	vperm.xlane v3, v2;
	v4 =	vadd.s32 v1, v4;
	_ =	sdelay $0x1  }
0x115: {  	v3 =	vadd.s32 v1, v3;
	_ =	sdelay $0x1  }
0x116: {  	s30 =	simm.s32 $0x6400  }
0x117: {  	[tilespmem:s30], [sflag:$0x1] =	stream.indirect_vreg.gather [hbm4b:s1+s3], $0x80, v4, vm0, $0xb8;
	[tilespmem:$0x10400] =	vst v63  }
0x118: {  	s26 =	simm.s32 $0x6C00  }
0x119: {  	[tilespmem:s26], [sflag:$0x1] =	stream.indirect_vreg.gather [hbm4b:s1+s3], $0x80, v3, vm0, $0xb8;
	[tilespmem:$0x10400] =	vst v63  }
0x11a: {  	v3 =	vld [tilespmem:$0x170];
	_ =	sdelay $0x4  }
0x11b: {  	v23 =	vshll.u32 v3, $0x1  }
0x11c: {  	v3 =	vand.u32 $0x7, v3;
	v4 =	vand.u32 $0xFFFFFFF0, v23  }
0x11d: {  	v3 =	vor.u32 v3, v4  }
0x11e: {  	v4 =	vperm.xlane v3, v0;
	_ =	sdelay $0x1  }
0x11f: {  	v3 =	vperm.xlane v3, v2;
	v4 =	vadd.s32 v1, v4;
	_ =	sdelay $0x1  }
0x120: {  	v3 =	vadd.s32 v1, v3;
	_ =	sdelay $0x1  }
0x121: {  	s30 =	simm.s32 $0x7400  }
0x122: {  	[tilespmem:s30], [sflag:$0x1] =	stream.indirect_vreg.gather [hbm4b:s1+s3], $0x80, v4, vm0, $0xb8;
	[tilespmem:$0x10400] =	vst v63  }
0x123: {  	s9 =	simm.s32 $0x7C00  }
0x124: {  	[tilespmem:s9], [sflag:$0x1] =	stream.indirect_vreg.gather [hbm4b:s1+s3], $0x80, v3, vm0, $0xb8;
	[tilespmem:$0x10400] =	vst v63  }
0x125: {  	s0 =	rddreg [dreg:$0x5]  }
0x126: {  	[hbm4b:s0+s3] =	stream.linear.scatter [tilespmem:s24], [sflag:$0x2], $0x8000, $0x38;
	[tilespmem:$0x10400] =	vst v63  }
0x127: {  	_ =	swait.ge [sflag:s23], $0x8000  }
0x128: {  	[sflag:s23] =	ssyncset.done $0x0  }
0x129: {  	[sflag:s23] =	ssyncadd.s32 $0xFFFF8000  }
0x12a: {  	_ =	swait.ge [sflag:s13], $0x8000  }
0x12b: {  	[sflag:s13] =	ssyncset.done $0x0  }
0x12c: {  	[sflag:s13] =	ssyncadd.s32 $0xFFFF8000  }
0x12d: {  	v3 =	vld [tilespmem:$0x180];
	_ =	sdelay $0x4  }
0x12e: {  	v24 =	vshll.u32 v3, $0x1  }
0x12f: {  	v3 =	vand.u32 $0x7, v3;
	v4 =	vand.u32 $0xFFFFFFF0, v24  }
0x130: {  	v3 =	vor.u32 v3, v4  }
0x131: {  	v4 =	vperm.xlane v3, v0;
	_ =	sdelay $0x1  }
0x132: {  	v3 =	vperm.xlane v3, v2;
	v4 =	vadd.s32 v1, v4;
	_ =	sdelay $0x1  }
0x133: {  	v3 =	vadd.s32 v1, v3;
	_ =	sdelay $0x2  }
0x134: {  	[tilespmem:s24], [sflag:$0x1] =	stream.indirect_vreg.gather [hbm4b:s1+s3], $0x80, v4, vm0, $0xb8;
	[tilespmem:$0x10400] =	vst v63  }
0x135: {  	s4 =	simm.s32 $0x8C00  }
0x136: {  	[tilespmem:s4], [sflag:$0x1] =	stream.indirect_vreg.gather [hbm4b:s1+s3], $0x80, v3, vm0, $0xb8;
	[tilespmem:$0x10400] =	vst v63  }
0x137: {  	v3 =	vld [tilespmem:$0x190];
	_ =	sdelay $0x4  }
0x138: {  	v25 =	vshll.u32 v3, $0x1  }
0x139: {  	v3 =	vand.u32 $0x7, v3;
	v4 =	vand.u32 $0xFFFFFFF0, v25  }
0x13a: {  	v3 =	vor.u32 v3, v4  }
0x13b: {  	v4 =	vperm.xlane v3, v0;
	_ =	sdelay $0x1  }
0x13c: {  	v3 =	vperm.xlane v3, v2;
	v4 =	vadd.s32 v1, v4;
	_ =	sdelay $0x1  }
0x13d: {  	v3 =	vadd.s32 v1, v3;
	_ =	sdelay $0x1  }
0x13e: {  	s2 =	simm.s32 $0x9400  }
0x13f: {  	[tilespmem:s2], [sflag:$0x1] =	stream.indirect_vreg.gather [hbm4b:s1+s3], $0x80, v4, vm0, $0xb8;
	[tilespmem:$0x10400] =	vst v63  }
0x140: {  	s8 =	simm.s32 $0x9C00  }
0x141: {  	[tilespmem:s8], [sflag:$0x1] =	stream.indirect_vreg.gather [hbm4b:s1+s3], $0x80, v3, vm0, $0xb8;
	[tilespmem:$0x10400] =	vst v63  }
0x142: {  	v3 =	vld [tilespmem:$0x1A0];
	_ =	sdelay $0x4  }
0x143: {  	v26 =	vshll.u32 v3, $0x1  }
0x144: {  	v3 =	vand.u32 $0x7, v3;
	v4 =	vand.u32 $0xFFFFFFF0, v26  }
0x145: {  	v3 =	vor.u32 v3, v4  }
0x146: {  	v4 =	vperm.xlane v3, v0;
	_ =	sdelay $0x1  }
0x147: {  	v3 =	vperm.xlane v3, v2;
	v4 =	vadd.s32 v1, v4;
	_ =	sdelay $0x1  }
0x148: {  	v3 =	vadd.s32 v1, v3;
	_ =	sdelay $0x1  }
0x149: {  	s4 =	simm.s32 $0xA400  }
0x14a: {  	[tilespmem:s4], [sflag:$0x1] =	stream.indirect_vreg.gather [hbm4b:s1+s3], $0x80, v4, vm0, $0xb8;
	[tilespmem:$0x10400] =	vst v63  }
0x14b: {  	s9 =	simm.s32 $0xAC00  }
0x14c: {  	[tilespmem:s9], [sflag:$0x1] =	stream.indirect_vreg.gather [hbm4b:s1+s3], $0x80, v3, vm0, $0xb8;
	[tilespmem:$0x10400] =	vst v63  }
0x14d: {  	v3 =	vld [tilespmem:$0x1B0];
	_ =	sdelay $0x4  }
0x14e: {  	v27 =	vshll.u32 v3, $0x1  }
0x14f: {  	v3 =	vand.u32 $0x7, v3;
	v4 =	vand.u32 $0xFFFFFFF0, v27  }
0x150: {  	v3 =	vor.u32 v3, v4  }
0x151: {  	v4 =	vperm.xlane v3, v0;
	_ =	sdelay $0x1  }
0x152: {  	v3 =	vperm.xlane v3, v2;
	v4 =	vadd.s32 v1, v4;
	_ =	sdelay $0x1  }
0x153: {  	v3 =	vadd.s32 v1, v3;
	_ =	sdelay $0x1  }
0x154: {  	s6 =	simm.s32 $0xB400  }
0x155: {  	[tilespmem:s6], [sflag:$0x1] =	stream.indirect_vreg.gather [hbm4b:s1+s3], $0x80, v4, vm0, $0xb8;
	[tilespmem:$0x10400] =	vst v63  }
0x156: {  	s11 =	simm.s32 $0xBC00  }
0x157: {  	[tilespmem:s11], [sflag:$0x1] =	stream.indirect_vreg.gather [hbm4b:s1+s3], $0x80, v3, vm0, $0xb8;
	[tilespmem:$0x10400] =	vst v63  }
0x158: {  	v3 =	vld [tilespmem:$0x1C0];
	_ =	sdelay $0x4  }
0x159: {  	v28 =	vshll.u32 v3, $0x1  }
0x15a: {  	v3 =	vand.u32 $0x7, v3;
	v4 =	vand.u32 $0xFFFFFFF0, v28  }
0x15b: {  	v3 =	vor.u32 v3, v4  }
0x15c: {  	v4 =	vperm.xlane v3, v0;
	_ =	sdelay $0x1  }
0x15d: {  	v3 =	vperm.xlane v3, v2;
	v4 =	vadd.s32 v1, v4;
	_ =	sdelay $0x1  }
0x15e: {  	v3 =	vadd.s32 v1, v3;
	_ =	sdelay $0x1  }
0x15f: {  	s7 =	simm.s32 $0xC400  }
0x160: {  	[tilespmem:s7], [sflag:$0x1] =	stream.indirect_vreg.gather [hbm4b:s1+s3], $0x80, v4, vm0, $0xb8;
	[tilespmem:$0x10400] =	vst v63  }
0x161: {  	s6 =	simm.s32 $0xCC00  }
0x162: {  	[tilespmem:s6], [sflag:$0x1] =	stream.indirect_vreg.gather [hbm4b:s1+s3], $0x80, v3, vm0, $0xb8;
	[tilespmem:$0x10400] =	vst v63  }
0x163: {  	v3 =	vld [tilespmem:$0x1D0];
	_ =	sdelay $0x4  }
0x164: {  	v29 =	vshll.u32 v3, $0x1  }
0x165: {  	v3 =	vand.u32 $0x7, v3;
	v4 =	vand.u32 $0xFFFFFFF0, v29  }
0x166: {  	v3 =	vor.u32 v3, v4  }
0x167: {  	v4 =	vperm.xlane v3, v0;
	_ =	sdelay $0x1  }
0x168: {  	v3 =	vperm.xlane v3, v2;
	v4 =	vadd.s32 v1, v4;
	_ =	sdelay $0x1  }
0x169: {  	v3 =	vadd.s32 v1, v3;
	_ =	sdelay $0x1  }
0x16a: {  	s0 =	simm.s32 $0xD400  }
0x16b: {  	[tilespmem:s0], [sflag:$0x1] =	stream.indirect_vreg.gather [hbm4b:s1+s3], $0x80, v4, vm0, $0xb8;
	[tilespmem:$0x10400] =	vst v63  }
0x16c: {  	s7 =	simm.s32 $0xDC00  }
0x16d: {  	[tilespmem:s7], [sflag:$0x1] =	stream.indirect_vreg.gather [hbm4b:s1+s3], $0x80, v3, vm0, $0xb8;
	[tilespmem:$0x10400] =	vst v63  }
0x16e: {  	v3 =	vld [tilespmem:$0x1E0];
	_ =	sdelay $0x4  }
0x16f: {  	v30 =	vshll.u32 v3, $0x1  }
0x170: {  	v3 =	vand.u32 $0x7, v3;
	v4 =	vand.u32 $0xFFFFFFF0, v30  }
0x171: {  	v3 =	vor.u32 v3, v4  }
0x172: {  	v4 =	vperm.xlane v3, v0;
	_ =	sdelay $0x1  }
0x173: {  	v3 =	vperm.xlane v3, v2;
	v4 =	vadd.s32 v1, v4;
	_ =	sdelay $0x1  }
0x174: {  	v3 =	vadd.s32 v1, v3;
	_ =	sdelay $0x1  }
0x175: {  	s2 =	simm.s32 $0xE400  }
0x176: {  	[tilespmem:s2], [sflag:$0x1] =	stream.indirect_vreg.gather [hbm4b:s1+s3], $0x80, v4, vm0, $0xb8;
	[tilespmem:$0x10400] =	vst v63  }
0x177: {  	s8 =	simm.s32 $0xEC00  }
0x178: {  	[tilespmem:s8], [sflag:$0x1] =	stream.indirect_vreg.gather [hbm4b:s1+s3], $0x80, v3, vm0, $0xb8;
	[tilespmem:$0x10400] =	vst v63  }
0x179: {  	v3 =	vld [tilespmem:$0x1F0];
	_ =	sdelay $0x4  }
0x17a: {  	v31 =	vshll.u32 v3, $0x1  }
0x17b: {  	v3 =	vand.u32 $0x7, v3;
	v4 =	vand.u32 $0xFFFFFFF0, v31  }
0x17c: {  	v3 =	vor.u32 v3, v4  }
0x17d: {  	v4 =	vperm.xlane v3, v0;
	_ =	sdelay $0x1  }
0x17e: {  	v3 =	vperm.xlane v3, v2;
	v4 =	vadd.s32 v1, v4;
	_ =	sdelay $0x1  }
0x17f: {  	v3 =	vadd.s32 v1, v3;
	_ =	sdelay $0x1  }
0x180: {  	s10 =	simm.s32 $0xF400  }
0x181: {  	[tilespmem:s10], [sflag:$0x1] =	stream.indirect_vreg.gather [hbm4b:s1+s3], $0x80, v4, vm0, $0xb8;
	[tilespmem:$0x10400] =	vst v63  }
0x182: {  	s28 =	simm.s32 $0xFC00  }
0x183: {  	[tilespmem:s28], [sflag:$0x1] =	stream.indirect_vreg.gather [hbm4b:s1+s3], $0x80, v3, vm0, $0xb8;
	[tilespmem:$0x10400] =	vst v63  }
0x184: {  	s10 =	rddreg [dreg:$0x6]  }
0x185: {  	[hbm4b:s10+s3] =	stream.linear.scatter [tilespmem:s15], [sflag:$0x2], $0x8000, $0x38;
	[tilespmem:$0x10400] =	vst v63  }
0x186: {  	_ =	swait.ge [sflag:s23], $0x8000  }
0x187: {  	[sflag:s23] =	ssyncset.done $0x0  }
0x188: {  	[sflag:s23] =	ssyncadd.s32 $0xFFFF8000  }
0x189: {  	_ =	swait.ge [sflag:s13], $0x8000  }
0x18a: {  	[sflag:s13] =	ssyncset.done $0x0  }
0x18b: {  	[sflag:s13] =	ssyncadd.s32 $0xFFFF8000  }
0x18c: {  	v3 =	vld [tilespmem:$0x200];
	_ =	sdelay $0x4  }
0x18d: {  	v32 =	vshll.u32 v3, $0x1  }
0x18e: {  	v3 =	vand.u32 $0x7, v3;
	v4 =	vand.u32 $0xFFFFFFF0, v32  }
0x18f: {  	v3 =	vor.u32 v3, v4  }
0x190: {  	v4 =	vperm.xlane v3, v0;
	_ =	sdelay $0x1  }
0x191: {  	v3 =	vperm.xlane v3, v2;
	v4 =	vadd.s32 v1, v4;
	_ =	sdelay $0x1  }
0x192: {  	v3 =	vadd.s32 v1, v3;
	_ =	sdelay $0x2  }
0x193: {  	[tilespmem:s15], [sflag:$0x1] =	stream.indirect_vreg.gather [hbm4b:s1+s3], $0x80, v4, vm0, $0xb8;
	[tilespmem:$0x10400] =	vst v63  }
0x194: {  	s17 =	simm.s32 $0xC00  }
0x195: {  	[tilespmem:s17], [sflag:$0x1] =	stream.indirect_vreg.gather [hbm4b:s1+s3], $0x80, v3, vm0, $0xb8;
	[tilespmem:$0x10400] =	vst v63  }
0x196: {  	v3 =	vld [tilespmem:$0x210];
	_ =	sdelay $0x4  }
0x197: {  	v33 =	vshll.u32 v3, $0x1  }
0x198: {  	v3 =	vand.u32 $0x7, v3;
	v4 =	vand.u32 $0xFFFFFFF0, v33  }
0x199: {  	v3 =	vor.u32 v3, v4  }
0x19a: {  	v4 =	vperm.xlane v3, v0;
	_ =	sdelay $0x1  }
0x19b: {  	v3 =	vperm.xlane v3, v2;
	v4 =	vadd.s32 v1, v4;
	_ =	sdelay $0x1  }
0x19c: {  	v3 =	vadd.s32 v1, v3;
	_ =	sdelay $0x1  }
0x19d: {  	s29 =	simm.s32 $0x1400  }
0x19e: {  	[tilespmem:s29], [sflag:$0x1] =	stream.indirect_vreg.gather [hbm4b:s1+s3], $0x80, v4, vm0, $0xb8;
	[tilespmem:$0x10400] =	vst v63  }
0x19f: {  	s31 =	simm.s32 $0x1C00  }
0x1a0: {  	[tilespmem:s31], [sflag:$0x1] =	stream.indirect_vreg.gather [hbm4b:s1+s3], $0x80, v3, vm0, $0xb8;
	[tilespmem:$0x10400] =	vst v63  }
0x1a1: {  	v3 =	vld [tilespmem:$0x220];
	_ =	sdelay $0x4  }
0x1a2: {  	v34 =	vshll.u32 v3, $0x1  }
0x1a3: {  	v3 =	vand.u32 $0x7, v3;
	v4 =	vand.u32 $0xFFFFFFF0, v34  }
0x1a4: {  	v3 =	vor.u32 v3, v4  }
0x1a5: {  	v4 =	vperm.xlane v3, v0;
	_ =	sdelay $0x1  }
0x1a6: {  	v3 =	vperm.xlane v3, v2;
	v4 =	vadd.s32 v1, v4;
	_ =	sdelay $0x1  }
0x1a7: {  	v3 =	vadd.s32 v1, v3;
	_ =	sdelay $0x1  }
0x1a8: {  	s14 =	simm.s32 $0x2400  }
0x1a9: {  	[tilespmem:s14], [sflag:$0x1] =	stream.indirect_vreg.gather [hbm4b:s1+s3], $0x80, v4, vm0, $0xb8;
	[tilespmem:$0x10400] =	vst v63  }
0x1aa: {  	s17 =	simm.s32 $0x2C00  }
0x1ab: {  	[tilespmem:s17], [sflag:$0x1] =	stream.indirect_vreg.gather [hbm4b:s1+s3], $0x80, v3, vm0, $0xb8;
	[tilespmem:$0x10400] =	vst v63  }
0x1ac: {  	v3 =	vld [tilespmem:$0x230];
	_ =	sdelay $0x4  }
0x1ad: {  	v35 =	vshll.u32 v3, $0x1  }
0x1ae: {  	v3 =	vand.u32 $0x7, v3;
	v4 =	vand.u32 $0xFFFFFFF0, v35  }
0x1af: {  	v3 =	vor.u32 v3, v4  }
0x1b0: {  	v4 =	vperm.xlane v3, v0;
	_ =	sdelay $0x1  }
0x1b1: {  	v3 =	vperm.xlane v3, v2;
	v4 =	vadd.s32 v1, v4;
	_ =	sdelay $0x1  }
0x1b2: {  	v3 =	vadd.s32 v1, v3;
	_ =	sdelay $0x1  }
0x1b3: {  	s14 =	simm.s32 $0x3400  }
0x1b4: {  	[tilespmem:s14], [sflag:$0x1] =	stream.indirect_vreg.gather [hbm4b:s1+s3], $0x80, v4, vm0, $0xb8;
	[tilespmem:$0x10400] =	vst v63  }
0x1b5: {  	s17 =	simm.s32 $0x3C00  }
0x1b6: {  	[tilespmem:s17], [sflag:$0x1] =	stream.indirect_vreg.gather [hbm4b:s1+s3], $0x80, v3, vm0, $0xb8;
	[tilespmem:$0x10400] =	vst v63  }
0x1b7: {  	v3 =	vld [tilespmem:$0x240];
	_ =	sdelay $0x4  }
0x1b8: {  	v36 =	vshll.u32 v3, $0x1  }
0x1b9: {  	v3 =	vand.u32 $0x7, v3;
	v4 =	vand.u32 $0xFFFFFFF0, v36  }
0x1ba: {  	v3 =	vor.u32 v3, v4  }
0x1bb: {  	v4 =	vperm.xlane v3, v0;
	_ =	sdelay $0x1  }
0x1bc: {  	v3 =	vperm.xlane v3, v2;
	v4 =	vadd.s32 v1, v4;
	_ =	sdelay $0x1  }
0x1bd: {  	v3 =	vadd.s32 v1, v3;
	_ =	sdelay $0x1  }
0x1be: {  	s14 =	simm.s32 $0x4400  }
0x1bf: {  	[tilespmem:s14], [sflag:$0x1] =	stream.indirect_vreg.gather [hbm4b:s1+s3], $0x80, v4, vm0, $0xb8;
	[tilespmem:$0x10400] =	vst v63  }
0x1c0: {  	s17 =	simm.s32 $0x4C00  }
0x1c1: {  	[tilespmem:s17], [sflag:$0x1] =	stream.indirect_vreg.gather [hbm4b:s1+s3], $0x80, v3, vm0, $0xb8;
	[tilespmem:$0x10400] =	vst v63  }
0x1c2: {  	v3 =	vld [tilespmem:$0x250];
	_ =	sdelay $0x4  }
0x1c3: {  	v37 =	vshll.u32 v3, $0x1  }
0x1c4: {  	v3 =	vand.u32 $0x7, v3;
	v4 =	vand.u32 $0xFFFFFFF0, v37  }
0x1c5: {  	v3 =	vor.u32 v3, v4  }
0x1c6: {  	v4 =	vperm.xlane v3, v0;
	_ =	sdelay $0x1  }
0x1c7: {  	v3 =	vperm.xlane v3, v2;
	v4 =	vadd.s32 v1, v4;
	_ =	sdelay $0x1  }
0x1c8: {  	v3 =	vadd.s32 v1, v3;
	_ =	sdelay $0x1  }
0x1c9: {  	s14 =	simm.s32 $0x5400  }
0x1ca: {  	[tilespmem:s14], [sflag:$0x1] =	stream.indirect_vreg.gather [hbm4b:s1+s3], $0x80, v4, vm0, $0xb8;
	[tilespmem:$0x10400] =	vst v63  }
0x1cb: {  	_ = 	snop  }
0x1cc: {  	[tilespmem:s18], [sflag:$0x1] =	stream.indirect_vreg.gather [hbm4b:s1+s3], $0x80, v3, vm0, $0xb8;
	[tilespmem:$0x10400] =	vst v63  }
0x1cd: {  	v3 =	vld [tilespmem:$0x260];
	_ =	sdelay $0x4  }
0x1ce: {  	v38 =	vshll.u32 v3, $0x1  }
0x1cf: {  	v3 =	vand.u32 $0x7, v3;
	v4 =	vand.u32 $0xFFFFFFF0, v38  }
0x1d0: {  	v3 =	vor.u32 v3, v4  }
0x1d1: {  	v4 =	vperm.xlane v3, v0;
	_ =	sdelay $0x1  }
0x1d2: {  	v3 =	vperm.xlane v3, v2;
	v4 =	vadd.s32 v1, v4;
	_ =	sdelay $0x1  }
0x1d3: {  	v3 =	vadd.s32 v1, v3;
	_ =	sdelay $0x1  }
0x1d4: {  	s17 =	simm.s32 $0x6400  }
0x1d5: {  	[tilespmem:s17], [sflag:$0x1] =	stream.indirect_vreg.gather [hbm4b:s1+s3], $0x80, v4, vm0, $0xb8;
	[tilespmem:$0x10400] =	vst v63  }
0x1d6: {  	_ = 	snop  }
0x1d7: {  	[tilespmem:s26], [sflag:$0x1] =	stream.indirect_vreg.gather [hbm4b:s1+s3], $0x80, v3, vm0, $0xb8;
	[tilespmem:$0x10400] =	vst v63  }
0x1d8: {  	v3 =	vld [tilespmem:$0x270];
	_ =	sdelay $0x4  }
0x1d9: {  	v39 =	vshll.u32 v3, $0x1  }
0x1da: {  	v3 =	vand.u32 $0x7, v3;
	v4 =	vand.u32 $0xFFFFFFF0, v39  }
0x1db: {  	v3 =	vor.u32 v3, v4  }
0x1dc: {  	v4 =	vperm.xlane v3, v0;
	_ =	sdelay $0x1  }
0x1dd: {  	v3 =	vperm.xlane v3, v2;
	v4 =	vadd.s32 v1, v4;
	_ =	sdelay $0x1  }
0x1de: {  	v3 =	vadd.s32 v1, v3;
	_ =	sdelay $0x2  }
0x1df: {  	[tilespmem:s30], [sflag:$0x1] =	stream.indirect_vreg.gather [hbm4b:s1+s3], $0x80, v4, vm0, $0xb8;
	[tilespmem:$0x10400] =	vst v63  }
0x1e0: {  	s22 =	simm.s32 $0x7C00  }
0x1e1: {  	[tilespmem:s22], [sflag:$0x1] =	stream.indirect_vreg.gather [hbm4b:s1+s3], $0x80, v3, vm0, $0xb8;
	[tilespmem:$0x10400] =	vst v63  }
0x1e2: {  	s10 =	rddreg [dreg:$0x7]  }
0x1e3: {  	[hbm4b:s10+s3] =	stream.linear.scatter [tilespmem:s24], [sflag:$0x2], $0x8000, $0x38;
	[tilespmem:$0x10400] =	vst v63  }
0x1e4: {  	_ =	swait.ge [sflag:s23], $0x8000  }
0x1e5: {  	[sflag:s23] =	ssyncset.done $0x0  }
0x1e6: {  	[sflag:s23] =	ssyncadd.s32 $0xFFFF8000  }
0x1e7: {  	_ =	swait.ge [sflag:s13], $0x8000  }
0x1e8: {  	[sflag:s13] =	ssyncset.done $0x0  }
0x1e9: {  	[sflag:s13] =	ssyncadd.s32 $0xFFFF8000  }
0x1ea: {  	v3 =	vld [tilespmem:$0x280];
	_ =	sdelay $0x4  }
0x1eb: {  	v40 =	vshll.u32 v3, $0x1  }
0x1ec: {  	v3 =	vand.u32 $0x7, v3;
	v4 =	vand.u32 $0xFFFFFFF0, v40  }
0x1ed: {  	v3 =	vor.u32 v3, v4  }
0x1ee: {  	v4 =	vperm.xlane v3, v0;
	_ =	sdelay $0x1  }
0x1ef: {  	v3 =	vperm.xlane v3, v2;
	v4 =	vadd.s32 v1, v4;
	_ =	sdelay $0x1  }
0x1f0: {  	v3 =	vadd.s32 v1, v3;
	_ =	sdelay $0x2  }
0x1f1: {  	[tilespmem:s24], [sflag:$0x1] =	stream.indirect_vreg.gather [hbm4b:s1+s3], $0x80, v4, vm0, $0xb8;
	[tilespmem:$0x10400] =	vst v63  }
0x1f2: {  	s19 =	simm.s32 $0x8C00  }
0x1f3: {  	[tilespmem:s19], [sflag:$0x1] =	stream.indirect_vreg.gather [hbm4b:s1+s3], $0x80, v3, vm0, $0xb8;
	[tilespmem:$0x10400] =	vst v63  }
0x1f4: {  	v3 =	vld [tilespmem:$0x290];
	_ =	sdelay $0x4  }
0x1f5: {  	v41 =	vshll.u32 v3, $0x1  }
0x1f6: {  	v3 =	vand.u32 $0x7, v3;
	v4 =	vand.u32 $0xFFFFFFF0, v41  }
0x1f7: {  	v3 =	vor.u32 v3, v4  }
0x1f8: {  	v4 =	vperm.xlane v3, v0;
	_ =	sdelay $0x1  }
0x1f9: {  	v3 =	vperm.xlane v3, v2;
	v4 =	vadd.s32 v1, v4;
	_ =	sdelay $0x1  }
0x1fa: {  	v3 =	vadd.s32 v1, v3;
	_ =	sdelay $0x1  }
0x1fb: {  	s16 =	simm.s32 $0x9400  }
0x1fc: {  	[tilespmem:s16], [sflag:$0x1] =	stream.indirect_vreg.gather [hbm4b:s1+s3], $0x80, v4, vm0, $0xb8;
	[tilespmem:$0x10400] =	vst v63  }
0x1fd: {  	s21 =	simm.s32 $0x9C00  }
0x1fe: {  	[tilespmem:s21], [sflag:$0x1] =	stream.indirect_vreg.gather [hbm4b:s1+s3], $0x80, v3, vm0, $0xb8;
	[tilespmem:$0x10400] =	vst v63  }
0x1ff: {  	v3 =	vld [tilespmem:$0x2A0];
	_ =	sdelay $0x4  }
0x200: {  	v42 =	vshll.u32 v3, $0x1  }
0x201: {  	v3 =	vand.u32 $0x7, v3;
	v4 =	vand.u32 $0xFFFFFFF0, v42  }
0x202: {  	v3 =	vor.u32 v3, v4  }
0x203: {  	v4 =	vperm.xlane v3, v0;
	_ =	sdelay $0x1  }
0x204: {  	v3 =	vperm.xlane v3, v2;
	v4 =	vadd.s32 v1, v4;
	_ =	sdelay $0x1  }
0x205: {  	v3 =	vadd.s32 v1, v3;
	_ =	sdelay $0x2  }
0x206: {  	[tilespmem:s4], [sflag:$0x1] =	stream.indirect_vreg.gather [hbm4b:s1+s3], $0x80, v4, vm0, $0xb8;
	[tilespmem:$0x10400] =	vst v63  }
0x207: {  	_ = 	snop  }
0x208: {  	[tilespmem:s9], [sflag:$0x1] =	stream.indirect_vreg.gather [hbm4b:s1+s3], $0x80, v3, vm0, $0xb8;
	[tilespmem:$0x10400] =	vst v63  }
0x209: {  	v3 =	vld [tilespmem:$0x2B0];
	_ =	sdelay $0x4  }
0x20a: {  	v43 =	vshll.u32 v3, $0x1  }
0x20b: {  	v3 =	vand.u32 $0x7, v3;
	v4 =	vand.u32 $0xFFFFFFF0, v43  }
0x20c: {  	v3 =	vor.u32 v3, v4  }
0x20d: {  	v4 =	vperm.xlane v3, v0;
	_ =	sdelay $0x1  }
0x20e: {  	v3 =	vperm.xlane v3, v2;
	v4 =	vadd.s32 v1, v4;
	_ =	sdelay $0x1  }
0x20f: {  	v3 =	vadd.s32 v1, v3;
	_ =	sdelay $0x1  }
0x210: {  	s20 =	simm.s32 $0xB400  }
0x211: {  	[tilespmem:s20], [sflag:$0x1] =	stream.indirect_vreg.gather [hbm4b:s1+s3], $0x80, v4, vm0, $0xb8;
	[tilespmem:$0x10400] =	vst v63  }
0x212: {  	_ = 	snop  }
0x213: {  	[tilespmem:s11], [sflag:$0x1] =	stream.indirect_vreg.gather [hbm4b:s1+s3], $0x80, v3, vm0, $0xb8;
	[tilespmem:$0x10400] =	vst v63  }
0x214: {  	v3 =	vld [tilespmem:$0x2C0];
	_ =	sdelay $0x4  }
0x215: {  	v44 =	vshll.u32 v3, $0x1  }
0x216: {  	v3 =	vand.u32 $0x7, v3;
	v4 =	vand.u32 $0xFFFFFFF0, v44  }
0x217: {  	v3 =	vor.u32 v3, v4  }
0x218: {  	v4 =	vperm.xlane v3, v0;
	_ =	sdelay $0x1  }
0x219: {  	v3 =	vperm.xlane v3, v2;
	v4 =	vadd.s32 v1, v4;
	_ =	sdelay $0x1  }
0x21a: {  	v3 =	vadd.s32 v1, v3;
	_ =	sdelay $0x1  }
0x21b: {  	s16 =	simm.s32 $0xC400  }
0x21c: {  	[tilespmem:s16], [sflag:$0x1] =	stream.indirect_vreg.gather [hbm4b:s1+s3], $0x80, v4, vm0, $0xb8;
	[tilespmem:$0x10400] =	vst v63  }
0x21d: {  	_ = 	snop  }
0x21e: {  	[tilespmem:s6], [sflag:$0x1] =	stream.indirect_vreg.gather [hbm4b:s1+s3], $0x80, v3, vm0, $0xb8;
	[tilespmem:$0x10400] =	vst v63  }
0x21f: {  	v3 =	vld [tilespmem:$0x2D0];
	_ =	sdelay $0x4  }
0x220: {  	v45 =	vshll.u32 v3, $0x1  }
0x221: {  	v3 =	vand.u32 $0x7, v3;
	v4 =	vand.u32 $0xFFFFFFF0, v45  }
0x222: {  	v3 =	vor.u32 v3, v4  }
0x223: {  	v4 =	vperm.xlane v3, v0;
	_ =	sdelay $0x1  }
0x224: {  	v3 =	vperm.xlane v3, v2;
	v4 =	vadd.s32 v1, v4;
	_ =	sdelay $0x1  }
0x225: {  	v3 =	vadd.s32 v1, v3;
	_ =	sdelay $0x2  }
0x226: {  	[tilespmem:s0], [sflag:$0x1] =	stream.indirect_vreg.gather [hbm4b:s1+s3], $0x80, v4, vm0, $0xb8;
	[tilespmem:$0x10400] =	vst v63  }
0x227: {  	_ = 	snop  }
0x228: {  	[tilespmem:s7], [sflag:$0x1] =	stream.indirect_vreg.gather [hbm4b:s1+s3], $0x80, v3, vm0, $0xb8;
	[tilespmem:$0x10400] =	vst v63  }
0x229: {  	v3 =	vld [tilespmem:$0x2E0];
	_ =	sdelay $0x4  }
0x22a: {  	v46 =	vshll.u32 v3, $0x1  }
0x22b: {  	v3 =	vand.u32 $0x7, v3;
	v4 =	vand.u32 $0xFFFFFFF0, v46  }
0x22c: {  	v3 =	vor.u32 v3, v4  }
0x22d: {  	v4 =	vperm.xlane v3, v0;
	_ =	sdelay $0x1  }
0x22e: {  	v3 =	vperm.xlane v3, v2;
	v4 =	vadd.s32 v1, v4;
	_ =	sdelay $0x1  }
0x22f: {  	v3 =	vadd.s32 v1, v3;
	_ =	sdelay $0x2  }
0x230: {  	[tilespmem:s2], [sflag:$0x1] =	stream.indirect_vreg.gather [hbm4b:s1+s3], $0x80, v4, vm0, $0xb8;
	[tilespmem:$0x10400] =	vst v63  }
0x231: {  	_ = 	snop  }
0x232: {  	[tilespmem:s8], [sflag:$0x1] =	stream.indirect_vreg.gather [hbm4b:s1+s3], $0x80, v3, vm0, $0xb8;
	[tilespmem:$0x10400] =	vst v63  }
0x233: {  	v3 =	vld [tilespmem:$0x2F0];
	_ =	sdelay $0x4  }
0x234: {  	v47 =	vshll.u32 v3, $0x1  }
0x235: {  	v3 =	vand.u32 $0x7, v3;
	v4 =	vand.u32 $0xFFFFFFF0, v47  }
0x236: {  	v3 =	vor.u32 v3, v4  }
0x237: {  	v4 =	vperm.xlane v3, v0;
	_ =	sdelay $0x1  }
0x238: {  	v3 =	vperm.xlane v3, v2;
	v4 =	vadd.s32 v1, v4;
	_ =	sdelay $0x1  }
0x239: {  	v3 =	vadd.s32 v1, v3;
	_ =	sdelay $0x1  }
0x23a: {  	s12 =	simm.s32 $0xF400  }
0x23b: {  	[tilespmem:s12], [sflag:$0x1] =	stream.indirect_vreg.gather [hbm4b:s1+s3], $0x80, v4, vm0, $0xb8;
	[tilespmem:$0x10400] =	vst v63  }
0x23c: {  	s28 =	simm.s32 $0xFC00  }
0x23d: {  	[tilespmem:s28], [sflag:$0x1] =	stream.indirect_vreg.gather [hbm4b:s1+s3], $0x80, v3, vm0, $0xb8;
	[tilespmem:$0x10400] =	vst v63  }
0x23e: {  	s14 =	rddreg [dreg:$0x8]  }
0x23f: {  	[hbm4b:s14+s3] =	stream.linear.scatter [tilespmem:s15], [sflag:$0x2], $0x8000, $0x38;
	[tilespmem:$0x10400] =	vst v63  }
0x240: {  	_ =	swait.ge [sflag:s23], $0x8000  }
0x241: {  	[sflag:s23] =	ssyncset.done $0x0  }
0x242: {  	[sflag:s23] =	ssyncadd.s32 $0xFFFF8000  }
0x243: {  	_ =	swait.ge [sflag:s13], $0x8000  }
0x244: {  	[sflag:s13] =	ssyncset.done $0x0  }
0x245: {  	[sflag:s13] =	ssyncadd.s32 $0xFFFF8000  }
0x246: {  	v3 =	vld [tilespmem:$0x300];
	_ =	sdelay $0x4  }
0x247: {  	v48 =	vshll.u32 v3, $0x1  }
0x248: {  	v3 =	vand.u32 $0x7, v3;
	v4 =	vand.u32 $0xFFFFFFF0, v48  }
0x249: {  	v3 =	vor.u32 v3, v4  }
0x24a: {  	v4 =	vperm.xlane v3, v0;
	_ =	sdelay $0x1  }
0x24b: {  	v3 =	vperm.xlane v3, v2;
	v4 =	vadd.s32 v1, v4;
	_ =	sdelay $0x1  }
0x24c: {  	v3 =	vadd.s32 v1, v3;
	_ =	sdelay $0x2  }
0x24d: {  	[tilespmem:s15], [sflag:$0x1] =	stream.indirect_vreg.gather [hbm4b:s1+s3], $0x80, v4, vm0, $0xb8;
	[tilespmem:$0x10400] =	vst v63  }
0x24e: {  	s25 =	simm.s32 $0xC00  }
0x24f: {  	[tilespmem:s25], [sflag:$0x1] =	stream.indirect_vreg.gather [hbm4b:s1+s3], $0x80, v3, vm0, $0xb8;
	[tilespmem:$0x10400] =	vst v63  }
0x250: {  	v3 =	vld [tilespmem:$0x310];
	_ =	sdelay $0x4  }
0x251: {  	v49 =	vshll.u32 v3, $0x1  }
0x252: {  	v3 =	vand.u32 $0x7, v3;
	v4 =	vand.u32 $0xFFFFFFF0, v49  }
0x253: {  	v3 =	vor.u32 v3, v4  }
0x254: {  	v4 =	vperm.xlane v3, v0;
	_ =	sdelay $0x1  }
0x255: {  	v3 =	vperm.xlane v3, v2;
	v4 =	vadd.s32 v1, v4;
	_ =	sdelay $0x1  }
0x256: {  	v3 =	vadd.s32 v1, v3;
	_ =	sdelay $0x1  }
0x257: {  	s29 =	simm.s32 $0x1400  }
0x258: {  	[tilespmem:s29], [sflag:$0x1] =	stream.indirect_vreg.gather [hbm4b:s1+s3], $0x80, v4, vm0, $0xb8;
	[tilespmem:$0x10400] =	vst v63  }
0x259: {  	s31 =	simm.s32 $0x1C00  }
0x25a: {  	[tilespmem:s31], [sflag:$0x1] =	stream.indirect_vreg.gather [hbm4b:s1+s3], $0x80, v3, vm0, $0xb8;
	[tilespmem:$0x10400] =	vst v63  }
0x25b: {  	v3 =	vld [tilespmem:$0x320];
	_ =	sdelay $0x4  }
0x25c: {  	v50 =	vshll.u32 v3, $0x1  }
0x25d: {  	v3 =	vand.u32 $0x7, v3;
	v4 =	vand.u32 $0xFFFFFFF0, v50  }
0x25e: {  	v3 =	vor.u32 v3, v4  }
0x25f: {  	v4 =	vperm.xlane v3, v0;
	_ =	sdelay $0x1  }
0x260: {  	v3 =	vperm.xlane v3, v2;
	v4 =	vadd.s32 v1, v4;
	_ =	sdelay $0x1  }
0x261: {  	v3 =	vadd.s32 v1, v3;
	_ =	sdelay $0x1  }
0x262: {  	s29 =	simm.s32 $0x2400  }
0x263: {  	[tilespmem:s29], [sflag:$0x1] =	stream.indirect_vreg.gather [hbm4b:s1+s3], $0x80, v4, vm0, $0xb8;
	[tilespmem:$0x10400] =	vst v63  }
0x264: {  	s31 =	simm.s32 $0x2C00  }
0x265: {  	[tilespmem:s31], [sflag:$0x1] =	stream.indirect_vreg.gather [hbm4b:s1+s3], $0x80, v3, vm0, $0xb8;
	[tilespmem:$0x10400] =	vst v63  }
0x266: {  	v3 =	vld [tilespmem:$0x330];
	_ =	sdelay $0x4  }
0x267: {  	v51 =	vshll.u32 v3, $0x1  }
0x268: {  	v3 =	vand.u32 $0x7, v3;
	v4 =	vand.u32 $0xFFFFFFF0, v51  }
0x269: {  	v3 =	vor.u32 v3, v4  }
0x26a: {  	v4 =	vperm.xlane v3, v0;
	_ =	sdelay $0x1  }
0x26b: {  	v3 =	vperm.xlane v3, v2;
	v4 =	vadd.s32 v1, v4;
	_ =	sdelay $0x1  }
0x26c: {  	v3 =	vadd.s32 v1, v3;
	_ =	sdelay $0x1  }
0x26d: {  	s25 =	simm.s32 $0x3400  }
0x26e: {  	[tilespmem:s25], [sflag:$0x1] =	stream.indirect_vreg.gather [hbm4b:s1+s3], $0x80, v4, vm0, $0xb8;
	[tilespmem:$0x10400] =	vst v63  }
0x26f: {  	s28 =	simm.s32 $0x3C00  }
0x270: {  	[tilespmem:s28], [sflag:$0x1] =	stream.indirect_vreg.gather [hbm4b:s1+s3], $0x80, v3, vm0, $0xb8;
	[tilespmem:$0x10400] =	vst v63  }
0x271: {  	v3 =	vld [tilespmem:$0x340];
	_ =	sdelay $0x4  }
0x272: {  	v52 =	vshll.u32 v3, $0x1  }
0x273: {  	v3 =	vand.u32 $0x7, v3;
	v4 =	vand.u32 $0xFFFFFFF0, v52  }
0x274: {  	v3 =	vor.u32 v3, v4  }
0x275: {  	v4 =	vperm.xlane v3, v0;
	_ =	sdelay $0x1  }
0x276: {  	v3 =	vperm.xlane v3, v2;
	v4 =	vadd.s32 v1, v4;
	_ =	sdelay $0x1  }
0x277: {  	v3 =	vadd.s32 v1, v3;
	_ =	sdelay $0x1  }
0x278: {  	s29 =	simm.s32 $0x4400  }
0x279: {  	[tilespmem:s29], [sflag:$0x1] =	stream.indirect_vreg.gather [hbm4b:s1+s3], $0x80, v4, vm0, $0xb8;
	[tilespmem:$0x10400] =	vst v63  }
0x27a: {  	s31 =	simm.s32 $0x4C00  }
0x27b: {  	[tilespmem:s31], [sflag:$0x1] =	stream.indirect_vreg.gather [hbm4b:s1+s3], $0x80, v3, vm0, $0xb8;
	[tilespmem:$0x10400] =	vst v63  }
0x27c: {  	v3 =	vld [tilespmem:$0x350];
	_ =	sdelay $0x4  }
0x27d: {  	v53 =	vshll.u32 v3, $0x1  }
0x27e: {  	v3 =	vand.u32 $0x7, v3;
	v4 =	vand.u32 $0xFFFFFFF0, v53  }
0x27f: {  	v3 =	vor.u32 v3, v4  }
0x280: {  	v4 =	vperm.xlane v3, v0;
	_ =	sdelay $0x1  }
0x281: {  	v3 =	vperm.xlane v3, v2;
	v4 =	vadd.s32 v1, v4;
	_ =	sdelay $0x1  }
0x282: {  	v3 =	vadd.s32 v1, v3;
	_ =	sdelay $0x1  }
0x283: {  	s25 =	simm.s32 $0x5400  }
0x284: {  	[tilespmem:s25], [sflag:$0x1] =	stream.indirect_vreg.gather [hbm4b:s1+s3], $0x80, v4, vm0, $0xb8;
	[tilespmem:$0x10400] =	vst v63  }
0x285: {  	s18 =	simm.s32 $0x5C00  }
0x286: {  	[tilespmem:s18], [sflag:$0x1] =	stream.indirect_vreg.gather [hbm4b:s1+s3], $0x80, v3, vm0, $0xb8;
	[tilespmem:$0x10400] =	vst v63  }
0x287: {  	v3 =	vld [tilespmem:$0x360];
	_ =	sdelay $0x4  }
0x288: {  	v54 =	vshll.u32 v3, $0x1  }
0x289: {  	v3 =	vand.u32 $0x7, v3;
	v4 =	vand.u32 $0xFFFFFFF0, v54  }
0x28a: {  	v3 =	vor.u32 v3, v4  }
0x28b: {  	v4 =	vperm.xlane v3, v0;
	_ =	sdelay $0x1  }
0x28c: {  	v3 =	vperm.xlane v3, v2;
	v4 =	vadd.s32 v1, v4;
	_ =	sdelay $0x1  }
0x28d: {  	v3 =	vadd.s32 v1, v3;
	_ =	sdelay $0x1  }
0x28e: {  	s28 =	simm.s32 $0x6400  }
0x28f: {  	[tilespmem:s28], [sflag:$0x1] =	stream.indirect_vreg.gather [hbm4b:s1+s3], $0x80, v4, vm0, $0xb8;
	[tilespmem:$0x10400] =	vst v63  }
0x290: {  	s26 =	simm.s32 $0x6C00  }
0x291: {  	[tilespmem:s26], [sflag:$0x1] =	stream.indirect_vreg.gather [hbm4b:s1+s3], $0x80, v3, vm0, $0xb8;
	[tilespmem:$0x10400] =	vst v63  }
0x292: {  	v3 =	vld [tilespmem:$0x370];
	_ =	sdelay $0x4  }
0x293: {  	v55 =	vshll.u32 v3, $0x1  }
0x294: {  	v3 =	vand.u32 $0x7, v3;
	v4 =	vand.u32 $0xFFFFFFF0, v55  }
0x295: {  	v3 =	vor.u32 v3, v4  }
0x296: {  	v4 =	vperm.xlane v3, v0;
	_ =	sdelay $0x1  }
0x297: {  	v3 =	vperm.xlane v3, v2;
	v4 =	vadd.s32 v1, v4;
	_ =	sdelay $0x1  }
0x298: {  	v3 =	vadd.s32 v1, v3;
	_ =	sdelay $0x1  }
0x299: {  	s30 =	simm.s32 $0x7400  }
0x29a: {  	[tilespmem:s30], [sflag:$0x1] =	stream.indirect_vreg.gather [hbm4b:s1+s3], $0x80, v4, vm0, $0xb8;
	[tilespmem:$0x10400] =	vst v63  }
0x29b: {  	s22 =	simm.s32 $0x7C00  }
0x29c: {  	[tilespmem:s22], [sflag:$0x1] =	stream.indirect_vreg.gather [hbm4b:s1+s3], $0x80, v3, vm0, $0xb8;
	[tilespmem:$0x10400] =	vst v63  }
0x29d: {  	s29 =	rddreg [dreg:$0x9]  }
0x29e: {  	[hbm4b:s29+s3] =	stream.linear.scatter [tilespmem:s24], [sflag:$0x2], $0x8000, $0x38;
	[tilespmem:$0x10400] =	vst v63  }
0x29f: {  	_ =	swait.ge [sflag:s23], $0x8000  }
0x2a0: {  	[sflag:s23] =	ssyncset.done $0x0  }
0x2a1: {  	[sflag:s23] =	ssyncadd.s32 $0xFFFF8000  }
0x2a2: {  	_ =	swait.ge [sflag:s13], $0x8000  }
0x2a3: {  	[sflag:s13] =	ssyncset.done $0x0  }
0x2a4: {  	[sflag:s13] =	ssyncadd.s32 $0xFFFF8000  }
0x2a5: {  	v3 =	vld [tilespmem:$0x380];
	_ =	sdelay $0x4  }
0x2a6: {  	v56 =	vshll.u32 v3, $0x1  }
0x2a7: {  	v3 =	vand.u32 $0x7, v3;
	v4 =	vand.u32 $0xFFFFFFF0, v56  }
0x2a8: {  	v3 =	vor.u32 v3, v4  }
0x2a9: {  	v4 =	vperm.xlane v3, v0;
	_ =	sdelay $0x1  }
0x2aa: {  	v3 =	vperm.xlane v3, v2;
	v4 =	vadd.s32 v1, v4;
	_ =	sdelay $0x1  }
0x2ab: {  	v3 =	vadd.s32 v1, v3;
	_ =	sdelay $0x2  }
0x2ac: {  	[tilespmem:s24], [sflag:$0x1] =	stream.indirect_vreg.gather [hbm4b:s1+s3], $0x80, v4, vm0, $0xb8;
	[tilespmem:$0x10400] =	vst v63  }
0x2ad: {  	s19 =	simm.s32 $0x8C00  }
0x2ae: {  	[tilespmem:s19], [sflag:$0x1] =	stream.indirect_vreg.gather [hbm4b:s1+s3], $0x80, v3, vm0, $0xb8;
	[tilespmem:$0x10400] =	vst v63  }
0x2af: {  	v3 =	vld [tilespmem:$0x390];
	_ =	sdelay $0x4  }
0x2b0: {  	v57 =	vshll.u32 v3, $0x1  }
0x2b1: {  	v3 =	vand.u32 $0x7, v3;
	v4 =	vand.u32 $0xFFFFFFF0, v57  }
0x2b2: {  	v3 =	vor.u32 v3, v4  }
0x2b3: {  	v4 =	vperm.xlane v3, v0;
	_ =	sdelay $0x1  }
0x2b4: {  	v3 =	vperm.xlane v3, v2;
	v4 =	vadd.s32 v1, v4;
	_ =	sdelay $0x1  }
0x2b5: {  	v3 =	vadd.s32 v1, v3;
	_ =	sdelay $0x1  }
0x2b6: {  	s17 =	simm.s32 $0x9400  }
0x2b7: {  	[tilespmem:s17], [sflag:$0x1] =	stream.indirect_vreg.gather [hbm4b:s1+s3], $0x80, v4, vm0, $0xb8;
	[tilespmem:$0x10400] =	vst v63  }
0x2b8: {  	s21 =	simm.s32 $0x9C00  }
0x2b9: {  	[tilespmem:s21], [sflag:$0x1] =	stream.indirect_vreg.gather [hbm4b:s1+s3], $0x80, v3, vm0, $0xb8;
	[tilespmem:$0x10400] =	vst v63  }
0x2ba: {  	v3 =	vld [tilespmem:$0x3A0];
	_ =	sdelay $0x4  }
0x2bb: {  	v58 =	vshll.u32 v3, $0x1  }
0x2bc: {  	v3 =	vand.u32 $0x7, v3;
	v4 =	vand.u32 $0xFFFFFFF0, v58  }
0x2bd: {  	v3 =	vor.u32 v3, v4  }
0x2be: {  	v4 =	vperm.xlane v3, v0;
	_ =	sdelay $0x1  }
0x2bf: {  	v3 =	vperm.xlane v3, v2;
	v4 =	vadd.s32 v1, v4;
	_ =	sdelay $0x1  }
0x2c0: {  	v3 =	vadd.s32 v1, v3;
	_ =	sdelay $0x1  }
0x2c1: {  	s4 =	simm.s32 $0xA400  }
0x2c2: {  	[tilespmem:s4], [sflag:$0x1] =	stream.indirect_vreg.gather [hbm4b:s1+s3], $0x80, v4, vm0, $0xb8;
	[tilespmem:$0x10400] =	vst v63  }
0x2c3: {  	s9 =	simm.s32 $0xAC00  }
0x2c4: {  	[tilespmem:s9], [sflag:$0x1] =	stream.indirect_vreg.gather [hbm4b:s1+s3], $0x80, v3, vm0, $0xb8;
	[tilespmem:$0x10400] =	vst v63  }
0x2c5: {  	v3 =	vld [tilespmem:$0x3B0];
	_ =	sdelay $0x4  }
0x2c6: {  	v59 =	vshll.u32 v3, $0x1  }
0x2c7: {  	v3 =	vand.u32 $0x7, v3;
	v4 =	vand.u32 $0xFFFFFFF0, v59  }
0x2c8: {  	v3 =	vor.u32 v3, v4  }
0x2c9: {  	v4 =	vperm.xlane v3, v0;
	_ =	sdelay $0x1  }
0x2ca: {  	v3 =	vperm.xlane v3, v2;
	v4 =	vadd.s32 v1, v4;
	_ =	sdelay $0x1  }
0x2cb: {  	v3 =	vadd.s32 v1, v3;
	_ =	sdelay $0x1  }
0x2cc: {  	s20 =	simm.s32 $0xB400  }
0x2cd: {  	[tilespmem:s20], [sflag:$0x1] =	stream.indirect_vreg.gather [hbm4b:s1+s3], $0x80, v4, vm0, $0xb8;
	[tilespmem:$0x10400] =	vst v63  }
0x2ce: {  	s10 =	simm.s32 $0xBC00  }
0x2cf: {  	[tilespmem:s10], [sflag:$0x1] =	stream.indirect_vreg.gather [hbm4b:s1+s3], $0x80, v3, vm0, $0xb8;
	[tilespmem:$0x10400] =	vst v63  }
0x2d0: {  	v3 =	vld [tilespmem:$0x3C0];
	_ =	sdelay $0x4  }
0x2d1: {  	v60 =	vshll.u32 v3, $0x1  }
0x2d2: {  	v3 =	vand.u32 $0x7, v3;
	v4 =	vand.u32 $0xFFFFFFF0, v60  }
0x2d3: {  	v3 =	vor.u32 v3, v4  }
0x2d4: {  	v4 =	vperm.xlane v3, v0;
	_ =	sdelay $0x1  }
0x2d5: {  	v3 =	vperm.xlane v3, v2;
	v4 =	vadd.s32 v1, v4;
	_ =	sdelay $0x1  }
0x2d6: {  	v3 =	vadd.s32 v1, v3;
	_ =	sdelay $0x1  }
0x2d7: {  	s11 =	simm.s32 $0xC400  }
0x2d8: {  	[tilespmem:s11], [sflag:$0x1] =	stream.indirect_vreg.gather [hbm4b:s1+s3], $0x80, v4, vm0, $0xb8;
	[tilespmem:$0x10400] =	vst v63  }
0x2d9: {  	s6 =	simm.s32 $0xCC00  }
0x2da: {  	[tilespmem:s6], [sflag:$0x1] =	stream.indirect_vreg.gather [hbm4b:s1+s3], $0x80, v3, vm0, $0xb8;
	[tilespmem:$0x10400] =	vst v63  }
0x2db: {  	v3 =	vld [tilespmem:$0x3D0];
	_ =	sdelay $0x4  }
0x2dc: {  	v61 =	vshll.u32 v3, $0x1  }
0x2dd: {  	v3 =	vand.u32 $0x7, v3;
	v4 =	vand.u32 $0xFFFFFFF0, v61  }
0x2de: {  	v3 =	vor.u32 v3, v4  }
0x2df: {  	v4 =	vperm.xlane v3, v0;
	_ =	sdelay $0x1  }
0x2e0: {  	v3 =	vperm.xlane v3, v2;
	v4 =	vadd.s32 v1, v4;
	_ =	sdelay $0x1  }
0x2e1: {  	v3 =	vadd.s32 v1, v3;
	_ =	sdelay $0x1  }
0x2e2: {  	s0 =	simm.s32 $0xD400  }
0x2e3: {  	[tilespmem:s0], [sflag:$0x1] =	stream.indirect_vreg.gather [hbm4b:s1+s3], $0x80, v4, vm0, $0xb8;
	[tilespmem:$0x10400] =	vst v63  }
0x2e4: {  	s7 =	simm.s32 $0xDC00  }
0x2e5: {  	[tilespmem:s7], [sflag:$0x1] =	stream.indirect_vreg.gather [hbm4b:s1+s3], $0x80, v3, vm0, $0xb8;
	[tilespmem:$0x10400] =	vst v63  }
0x2e6: {  	v3 =	vld [tilespmem:$0x3E0];
	_ =	sdelay $0x4  }
0x2e7: {  	v62 =	vshll.u32 v3, $0x1  }
0x2e8: {  	v3 =	vand.u32 $0x7, v3;
	v4 =	vand.u32 $0xFFFFFFF0, v62  }
0x2e9: {  	v3 =	vor.u32 v3, v4  }
0x2ea: {  	v4 =	vperm.xlane v3, v0;
	_ =	sdelay $0x1  }
0x2eb: {  	v3 =	vperm.xlane v3, v2;
	v4 =	vadd.s32 v1, v4;
	_ =	sdelay $0x1  }
0x2ec: {  	v3 =	vadd.s32 v1, v3;
	_ =	sdelay $0x1  }
0x2ed: {  	s2 =	simm.s32 $0xE400  }
0x2ee: {  	[tilespmem:s2], [sflag:$0x1] =	stream.indirect_vreg.gather [hbm4b:s1+s3], $0x80, v4, vm0, $0xb8;
	[tilespmem:$0x10400] =	vst v63  }
0x2ef: {  	s8 =	simm.s32 $0xEC00  }
0x2f0: {  	[tilespmem:s8], [sflag:$0x1] =	stream.indirect_vreg.gather [hbm4b:s1+s3], $0x80, v3, vm0, $0xb8;
	[tilespmem:$0x10400] =	vst v63  }
0x2f1: {  	v3 =	vld [tilespmem:$0x3F0];
	_ =	sdelay $0x4  }
0x2f2: {  	v63 =	vshll.u32 v3, $0x1  }
0x2f3: {  	v3 =	vand.u32 $0x7, v3;
	v4 =	vand.u32 $0xFFFFFFF0, v63  }
0x2f4: {  	v3 =	vor.u32 v3, v4  }
0x2f5: {  	v4 =	vperm.xlane v3, v0;
	_ =	sdelay $0x1  }
0x2f6: {  	v3 =	vperm.xlane v3, v2;
	v4 =	vadd.s32 v1, v4;
	_ =	sdelay $0x1  }
0x2f7: {  	v3 =	vadd.s32 v1, v3;
	_ =	sdelay $0x1  }
0x2f8: {  	s16 =	simm.s32 $0xF400  }
0x2f9: {  	[tilespmem:s16], [sflag:$0x1] =	stream.indirect_vreg.gather [hbm4b:s1+s3], $0x80, v4, vm0, $0xb8;
	[tilespmem:$0x10400] =	vst v63  }
0x2fa: {  	s12 =	simm.s32 $0xFC00  }
0x2fb: {  	[tilespmem:s12], [sflag:$0x1] =	stream.indirect_vreg.gather [hbm4b:s1+s3], $0x80, v3, vm0, $0xb8;
	[tilespmem:$0x10400] =	vst v63  }
0x2fc: {  	s30 =	rddreg [dreg:$0xa]  }
0x2fd: {  	[hbm4b:s30+s3] =	stream.linear.scatter [tilespmem:s15], [sflag:$0x2], $0x8000, $0x38;
	[tilespmem:$0x10400] =	vst v63  }
0x2fe: {  	_ =	swait.ge [sflag:s23], $0x8000  }
0x2ff: {  	p0 =	sne.s32 s5, $0x1;
	[sflag:s23] =	ssyncset.done $0x0  }
.Ltmp0:
0x300: {  	s31 =	rddreg [dreg:$0xb];
	[sflag:s23] =	ssyncadd.s32 $0xFFFF8000;
	(pc) =	sbr.rel @p0 .LBB2_1-.Ltmp0, $4  }
0x301: {  	[hbm4b:s31+s3] =	stream.linear.scatter [tilespmem:s24], [sflag:$0x2], $0x8000, $0x38;
	[tilespmem:$0x10400] =	vst v63  }
0x302: {  	_ =	swait.ge [sflag:s13], $0x8000  }
0x303: {  	[sflag:s13] =	ssyncset.done $0x0  }
0x304: {  	s5 =	sadd.s32 $0xFFFFFFFF, s5;
	[sflag:s13] =	ssyncadd.s32 $0xFFFF8000  }
0x305: {  	_ =	sfence.sel $0x180000  }
0x306: {  	[bflag:$0x0] =	sbarrier.arrive $0xFFFF  }
0x307: {  	_ =	strace $0x90000047  }
0x308: {  	s0 =	stileid.u32;
	[bflag:$0x2] =	sbarrier.arrive $0xFFFF  }
0x309: {  	p0 =	sne.s32 s0, $0x0;
	s0 =	rddreg [dreg:$0x3]  }
0x30a: {  	s0 =	sadd.s32 @!p0 $0x100000, s0  }
0x30b: {  	[sflag:s0] =	ssyncadd.tile.s32 @!p0 $0x1;
	_ =	shalt  }
.Lfunc_end2:
_tile_overlayer_lowered:
.L_overlay_start_2:
0x30c: {  	(tag) =	ssettag $0x2  }
0x30d: {  	s0 =	rddreg [dreg:$0x0];
	s2 =	stileid.u32  }
0x30e: {  	s1 =	rddreg [dreg:$0x1];
	p0 =	sne.s32 s2, $0x0  }
0x30f: {  	s3 =	rddreg [dreg:$0x2];
	[bflag:$0x3] =	sbarrier.arrive $0xFFFF;
	s2 =	simm.s32 @!p0 $0x1C03  }
0x310: {  	[timem:s3], [sflag:s2] =	dma.local @!p0 [hbm:s0], s1  }
0x311: {  	s0 =	simm.s32 @!p0 $0x3  }
0x312: {  	_ =	swait.ge @!p0 [sflag:s0], s1  }
0x313: {  	s1 =	ssub.s32 @!p0 $0x0, s1;
	[sflag:s0] =	ssyncset.done @!p0 $0x0  }
0x314: {  	[sflag:s0] =	ssyncadd.s32 @!p0 s1  }
0x315: {  	[bflag:$0x3] =	sbarrier.arrive $0xFFFF  }
0x316: {  	_ =	shalt  }

</sc_bundles>
